<compile_context>
chip_gen: v7x
topology: tpu7x:2x2x1
jax: 0.10.2.dev20260603
libtpu: 0.0.44.dev20260713+nightly
codegen_flags: <defaults>
</compile_context>

<pallas_src>
import jax
import jax.numpy as jnp
from jax.experimental import pallas as pl
from jax.experimental.pallas import tpu as pltpu

_NUM_EMB = 512
_EMB_DIM = 64
_BETA = 0.25
_TB = 512
_CCHUNK = 256


def _fold_half(xm, tTg, base):

    def F(s):
        f = None
        for j in range(4):
            e = base + 8 * j + s
            u = jnp.abs(xm[:, e:e + 1] - tTg[e:e + 1, :])
            f = u if f is None else f + u
        return f

    t1 = F(0) + F(4)
    t2 = F(2) + F(6)
    t12 = t1 + t2
    t3 = F(1) + F(5)
    t4 = F(3) + F(7)
    return t12 + (t3 + t4)


def _block(s_ref, x_ref, t_ref, tT_ref, o_ref, loss_ref):
    i = pl.program_id(0)
    M = s_ref[0]
    rows = i * _TB + jax.lax.broadcasted_iota(jnp.int32, (_TB, 1), 0)

    @pl.when(i * _TB < M)
    def _compute():
        xm = jnp.where(rows >= M, 0.0, x_ref[...])

        best_d = None
        best_i = None
        iota_c = jax.lax.broadcasted_iota(jnp.int32, (_TB, _CCHUNK), 1)
        for g in range(_NUM_EMB // _CCHUNK):
            tTg = tT_ref[:, g * _CCHUNK:(g + 1) * _CCHUNK]
            dg = _fold_half(xm, tTg, 0) + _fold_half(xm, tTg, 32)
            mg = jnp.min(dg, axis=1, keepdims=True)
            ig = jnp.min(jnp.where(dg == mg, iota_c + g * _CCHUNK, _NUM_EMB),
                         axis=1, keepdims=True)
            if g == 0:
                best_d, best_i = mg, ig
            else:
                take = mg < best_d
                best_i = jnp.where(take, ig, best_i)
                best_d = jnp.where(take, mg, best_d)

        iota = jax.lax.broadcasted_iota(jnp.int32, (_TB, _NUM_EMB), 1)
        onehot = (iota == best_i).astype(jnp.float32)
        zq = jax.lax.dot_general(
            onehot, t_ref[...], (((1,), (0,)), ((), ())),
            precision=jax.lax.Precision.HIGHEST,
            preferred_element_type=jnp.float32)
        zq = jnp.where(rows >= M, 0.0, zq)

        o_ref[...] = xm + (zq - xm)
        diff = xm - zq
        part = jnp.sum(diff * diff).reshape(1, 1)

        @pl.when(i == 0)
        def _init():
            loss_ref[...] = part

        @pl.when(i != 0)
        def _acc():
            loss_ref[...] += part

    @pl.when(i * _TB >= M)
    def _skip():
        o_ref[...] = jnp.zeros((_TB, _EMB_DIM), jnp.float32)

        @pl.when(i == 0)
        def _empty():
            loss_ref[...] = jnp.zeros((1, 1), jnp.float32)


def kernel(x, mask, table):
    B, T, E = x.shape
    N = B * T
    xf = x.reshape(N, E)
    tT = jnp.swapaxes(table, 0, 1)

    mi = mask.reshape(N).astype(jnp.int32)
    keep = 1 - mi
    ck = jnp.cumsum(keep)
    M = ck[N - 1:]
    ar = jnp.arange(N, dtype=jnp.int32)
    dest = jnp.where(keep == 1, ck - 1, M[0] + ar - ck)
    xc = jnp.zeros((N, E), jnp.float32).at[dest].set(xf, unique_indices=True)

    zc, losssum = pl.pallas_call(
        _block,
        grid_spec=pltpu.PrefetchScalarGridSpec(
            num_scalar_prefetch=1,
            grid=(N // _TB,),
            in_specs=[
                pl.BlockSpec((_TB, E), lambda i, s: (i, 0)),
                pl.BlockSpec((_NUM_EMB, E), lambda i, s: (0, 0)),
                pl.BlockSpec((E, _NUM_EMB), lambda i, s: (0, 0)),
            ],
            out_specs=[
                pl.BlockSpec((_TB, E), lambda i, s: (i, 0)),
                pl.BlockSpec((1, 1), lambda i, s: (0, 0)),
            ],
        ),
        out_shape=[
            jax.ShapeDtypeStruct((N, E), jnp.float32),
            jax.ShapeDtypeStruct((1, 1), jnp.float32),
        ],
    )(M, xc, table, tT)

    emb = losssum[0, 0] / (N * E)
    return (jnp.take(zc, dest, axis=0).reshape(B, T, E), emb, _BETA * emb)

# --- scband reference (transcript-rebuilt; emitter-appended) ---
"""Pipeline reference for scband-quantize-layer-78786880078104 (READ-ONLY COPY).

The authoritative reference and input builder live on the scoring server;
editing this copy changes nothing except your own understanding.
"""

import jax, jax.numpy as jnp
import numpy as np

NUM_EMB = 512
EMB_DIM = 64
BETA = 0.25


def setup_inputs(seed: int = 0) -> dict:
    key = jax.random.key(seed)
    k1, k2, k3 = jax.random.split(key, 3)
    x = jax.random.normal(k1, (8, 576, 64), dtype=jnp.float32)
    mask = jax.random.randint(k2, (8, 576), 0, 2).astype(bool)
    # nn.Embedding weight initialized uniform(-1/num_emb, 1/num_emb)
    table = jax.random.uniform(k3, (NUM_EMB, EMB_DIM), dtype=jnp.float32,
                               minval=-1.0 / NUM_EMB, maxval=1.0 / NUM_EMB)
    return {"x": x, "mask": mask, "table": table}


def _nearest_idx(x_flat, table):
    # Faithful to torch: dist = sqrt((x - centers)**2).sum(-1)  (elementwise sqrt of square == abs, summed -> L1)
    # Chunked over tokens to bound memory; math identical to the full broadcast.
    E = x_flat.shape[-1]
    n_chunks = 8
    chunks = x_flat.reshape(n_chunks, -1, E)

    def body(xc):
        d = jnp.sqrt((xc[:, None, :] - table[None, :, :]) ** 2).sum(-1)
        return jnp.argmin(d, axis=-1)

    idx = jax.lax.map(body, chunks)
    return idx.reshape(-1)


def reference(x, mask, table):
    B, T, E = x.shape
    m = mask[:, :, None]
    x = jnp.where(m, 0.0, x)
    x_sg = jax.lax.stop_gradient(x)
    x_flat = x.reshape(-1, E)
    idx = _nearest_idx(x_flat, table)
    z_q = jnp.take(table, idx, axis=0).reshape(B, T, E)
    z_q = jnp.where(m, 0.0, z_q)
    embedding_loss = jnp.mean((x_sg - z_q) ** 2)
    commitment_loss = BETA * jnp.mean((x - jax.lax.stop_gradient(z_q)) ** 2)
    z_q_out = x + jax.lax.stop_gradient(z_q - x)
    return (z_q_out, embedding_loss, commitment_loss)

if __name__ == "__main__":
    import jax
    _d = setup_inputs()
    print(jax.jit(kernel)(*tuple(_d.values())))

</pallas_src>

<mosaic_0001>
module attributes {stable_mosaic.version = 14 : i64} {
  func.func @_block(%arg0: i32, %arg1: memref<1xi32, #tpu.memory_space<smem>>, %arg2: memref<512x64xf32, #tpu.memory_space<vmem>>, %arg3: memref<512x64xf32, #tpu.memory_space<vmem>>, %arg4: memref<64x512xf32, #tpu.memory_space<vmem>>, %arg5: memref<512x64xf32, #tpu.memory_space<vmem>>, %arg6: memref<1x1xf32, #tpu.memory_space<vmem>>) attributes {dimension_semantics = [#tpu.dimension_semantics<arbitrary>], iteration_bounds = array<i64: 9>, scalar_prefetch = 1 : i64, scratch_operands = 0 : i64, tpu.core_type = #tpu.core_type<tc>, window_params = [{transform_indices = @transform_0, window_bounds = array<i64: 512, 64>}, {pipeline_mode = #tpu.pipeline_mode<synchronous>, transform_indices = @transform_1, window_bounds = array<i64: 512, 64>}, {pipeline_mode = #tpu.pipeline_mode<synchronous>, transform_indices = @transform_2, window_bounds = array<i64: 64, 512>}, {transform_indices = @transform_3, window_bounds = array<i64: 512, 64>}, {pipeline_mode = #tpu.pipeline_mode<synchronous>, transform_indices = @transform_4, window_bounds = array<i64: 1, 1>}]} {
    %get3A = arith.constant 0 : index
    %get3A_0 = memref.load %arg1[%get3A] : memref<1xi32, #tpu.memory_space<smem>>
    %mul3A = arith.constant 512 : i32
    %mul3A_1 = arith.muli %arg0, %mul3A : i32
    %iota3A = tpu.iota {dimensions = array<i32: 0>} : vector<512x1xi32>
    %add3A = vector.broadcast %mul3A_1 : i32 to vector<512x1xi32>
    %add3A_2 = arith.addi %add3A, %iota3A : vector<512x1xi32>
    %mul3A_3 = arith.constant 512 : i32
    %mul3A_4 = arith.muli %arg0, %mul3A_3 : i32
    %lt3A = arith.cmpi slt, %mul3A_4, %get3A_0 : i32
    %convert_element_type3A = arith.extui %lt3A : i1 to i32
    %cond3A = arith.constant 0 : i32
    %cond3A_5 = arith.cmpi ne, %convert_element_type3A, %cond3A : i32
    scf.if %cond3A_5 {
      %ge3A_11 = vector.broadcast %get3A_0 : i32 to vector<512x1xi32>
      %ge3A_12 = arith.cmpi sge, %add3A_2, %ge3A_11 : vector<512x1xi32>
      %get3A_13 = arith.constant 0 : index
      %get3A_14 = arith.constant 0 : index
      %get3A_15 = vector.load %arg2[%get3A_13, %get3A_14] : memref<512x64xf32, #tpu.memory_space<vmem>>, vector<512x64xf32>
      %jit3A = arith.constant 0.000000e+00 : f32
      %broadcast_in_dim3A = vector.shape_cast %ge3A_12 : vector<512x1xi1> to vector<512x1xi1>
      %broadcast_in_dim3A_16 = vector.broadcast %broadcast_in_dim3A : vector<512x1xi1> to vector<512x64xi1>
      %broadcast_in_dim3A_17 = vector.broadcast %jit3A : f32 to vector<512x64xf32>
      %select_n3A = arith.select %broadcast_in_dim3A_16, %broadcast_in_dim3A_17, %get3A_15 : vector<512x64xi1>, vector<512x64xf32>
      %iota3A_18 = tpu.iota {dimensions = array<i32: 1>} : vector<512x256xi32>
      %get3A_19 = arith.constant 0 : index
      %get3A_20 = arith.constant 0 : index
      %get3A_21 = vector.load %arg4[%get3A_19, %get3A_20] : memref<64x512xf32, #tpu.memory_space<vmem>>, vector<64x256xf32>
      %slice3A = vector.extract_strided_slice %select_n3A {offsets = [0, 0], sizes = [512, 1], strides = [1, 1]} : vector<512x64xf32> to vector<512x1xf32>
      %slice3A_22 = vector.extract_strided_slice %get3A_21 {offsets = [0, 0], sizes = [1, 256], strides = [1, 1]} : vector<64x256xf32> to vector<1x256xf32>
      %sub3A = vector.broadcast %slice3A : vector<512x1xf32> to vector<512x256xf32>
      %sub3A_23 = vector.broadcast %slice3A_22 : vector<1x256xf32> to vector<512x256xf32>
      %sub3A_24 = arith.subf %sub3A, %sub3A_23 : vector<512x256xf32>
      %abs3A = math.absf %sub3A_24 : vector<512x256xf32>
      %slice3A_25 = vector.extract_strided_slice %select_n3A {offsets = [0, 8], sizes = [512, 1], strides = [1, 1]} : vector<512x64xf32> to vector<512x1xf32>
      %slice3A_26 = vector.extract_strided_slice %get3A_21 {offsets = [8, 0], sizes = [1, 256], strides = [1, 1]} : vector<64x256xf32> to vector<1x256xf32>
      %sub3A_27 = vector.broadcast %slice3A_25 : vector<512x1xf32> to vector<512x256xf32>
      %sub3A_28 = vector.broadcast %slice3A_26 : vector<1x256xf32> to vector<512x256xf32>
      %sub3A_29 = arith.subf %sub3A_27, %sub3A_28 : vector<512x256xf32>
      %abs3A_30 = math.absf %sub3A_29 : vector<512x256xf32>
      %add3A_31 = arith.addf %abs3A, %abs3A_30 : vector<512x256xf32>
      %slice3A_32 = vector.extract_strided_slice %select_n3A {offsets = [0, 16], sizes = [512, 1], strides = [1, 1]} : vector<512x64xf32> to vector<512x1xf32>
      %slice3A_33 = vector.extract_strided_slice %get3A_21 {offsets = [16, 0], sizes = [1, 256], strides = [1, 1]} : vector<64x256xf32> to vector<1x256xf32>
      %sub3A_34 = vector.broadcast %slice3A_32 : vector<512x1xf32> to vector<512x256xf32>
      %sub3A_35 = vector.broadcast %slice3A_33 : vector<1x256xf32> to vector<512x256xf32>
      %sub3A_36 = arith.subf %sub3A_34, %sub3A_35 : vector<512x256xf32>
      %abs3A_37 = math.absf %sub3A_36 : vector<512x256xf32>
      %add3A_38 = arith.addf %add3A_31, %abs3A_37 : vector<512x256xf32>
      %slice3A_39 = vector.extract_strided_slice %select_n3A {offsets = [0, 24], sizes = [512, 1], strides = [1, 1]} : vector<512x64xf32> to vector<512x1xf32>
      %slice3A_40 = vector.extract_strided_slice %get3A_21 {offsets = [24, 0], sizes = [1, 256], strides = [1, 1]} : vector<64x256xf32> to vector<1x256xf32>
      %sub3A_41 = vector.broadcast %slice3A_39 : vector<512x1xf32> to vector<512x256xf32>
      %sub3A_42 = vector.broadcast %slice3A_40 : vector<1x256xf32> to vector<512x256xf32>
      %sub3A_43 = arith.subf %sub3A_41, %sub3A_42 : vector<512x256xf32>
      %abs3A_44 = math.absf %sub3A_43 : vector<512x256xf32>
      %add3A_45 = arith.addf %add3A_38, %abs3A_44 : vector<512x256xf32>
      %slice3A_46 = vector.extract_strided_slice %select_n3A {offsets = [0, 4], sizes = [512, 1], strides = [1, 1]} : vector<512x64xf32> to vector<512x1xf32>
      %slice3A_47 = vector.extract_strided_slice %get3A_21 {offsets = [4, 0], sizes = [1, 256], strides = [1, 1]} : vector<64x256xf32> to vector<1x256xf32>
      %sub3A_48 = vector.broadcast %slice3A_46 : vector<512x1xf32> to vector<512x256xf32>
      %sub3A_49 = vector.broadcast %slice3A_47 : vector<1x256xf32> to vector<512x256xf32>
      %sub3A_50 = arith.subf %sub3A_48, %sub3A_49 : vector<512x256xf32>
      %abs3A_51 = math.absf %sub3A_50 : vector<512x256xf32>
      %slice3A_52 = vector.extract_strided_slice %select_n3A {offsets = [0, 12], sizes = [512, 1], strides = [1, 1]} : vector<512x64xf32> to vector<512x1xf32>
      %slice3A_53 = vector.extract_strided_slice %get3A_21 {offsets = [12, 0], sizes = [1, 256], strides = [1, 1]} : vector<64x256xf32> to vector<1x256xf32>
      %sub3A_54 = vector.broadcast %slice3A_52 : vector<512x1xf32> to vector<512x256xf32>
      %sub3A_55 = vector.broadcast %slice3A_53 : vector<1x256xf32> to vector<512x256xf32>
      %sub3A_56 = arith.subf %sub3A_54, %sub3A_55 : vector<512x256xf32>
      %abs3A_57 = math.absf %sub3A_56 : vector<512x256xf32>
      %add3A_58 = arith.addf %abs3A_51, %abs3A_57 : vector<512x256xf32>
      %slice3A_59 = vector.extract_strided_slice %select_n3A {offsets = [0, 20], sizes = [512, 1], strides = [1, 1]} : vector<512x64xf32> to vector<512x1xf32>
      %slice3A_60 = vector.extract_strided_slice %get3A_21 {offsets = [20, 0], sizes = [1, 256], strides = [1, 1]} : vector<64x256xf32> to vector<1x256xf32>
      %sub3A_61 = vector.broadcast %slice3A_59 : vector<512x1xf32> to vector<512x256xf32>
      %sub3A_62 = vector.broadcast %slice3A_60 : vector<1x256xf32> to vector<512x256xf32>
      %sub3A_63 = arith.subf %sub3A_61, %sub3A_62 : vector<512x256xf32>
      %abs3A_64 = math.absf %sub3A_63 : vector<512x256xf32>
      %add3A_65 = arith.addf %add3A_58, %abs3A_64 : vector<512x256xf32>
      %slice3A_66 = vector.extract_strided_slice %select_n3A {offsets = [0, 28], sizes = [512, 1], strides = [1, 1]} : vector<512x64xf32> to vector<512x1xf32>
      %slice3A_67 = vector.extract_strided_slice %get3A_21 {offsets = [28, 0], sizes = [1, 256], strides = [1, 1]} : vector<64x256xf32> to vector<1x256xf32>
      %sub3A_68 = vector.broadcast %slice3A_66 : vector<512x1xf32> to vector<512x256xf32>
      %sub3A_69 = vector.broadcast %slice3A_67 : vector<1x256xf32> to vector<512x256xf32>
      %sub3A_70 = arith.subf %sub3A_68, %sub3A_69 : vector<512x256xf32>
      %abs3A_71 = math.absf %sub3A_70 : vector<512x256xf32>
      %add3A_72 = arith.addf %add3A_65, %abs3A_71 : vector<512x256xf32>
      %add3A_73 = arith.addf %add3A_45, %add3A_72 : vector<512x256xf32>
      %slice3A_74 = vector.extract_strided_slice %select_n3A {offsets = [0, 2], sizes = [512, 1], strides = [1, 1]} : vector<512x64xf32> to vector<512x1xf32>
      %slice3A_75 = vector.extract_strided_slice %get3A_21 {offsets = [2, 0], sizes = [1, 256], strides = [1, 1]} : vector<64x256xf32> to vector<1x256xf32>
      %sub3A_76 = vector.broadcast %slice3A_74 : vector<512x1xf32> to vector<512x256xf32>
      %sub3A_77 = vector.broadcast %slice3A_75 : vector<1x256xf32> to vector<512x256xf32>
      %sub3A_78 = arith.subf %sub3A_76, %sub3A_77 : vector<512x256xf32>
      %abs3A_79 = math.absf %sub3A_78 : vector<512x256xf32>
      %slice3A_80 = vector.extract_strided_slice %select_n3A {offsets = [0, 10], sizes = [512, 1], strides = [1, 1]} : vector<512x64xf32> to vector<512x1xf32>
      %slice3A_81 = vector.extract_strided_slice %get3A_21 {offsets = [10, 0], sizes = [1, 256], strides = [1, 1]} : vector<64x256xf32> to vector<1x256xf32>
      %sub3A_82 = vector.broadcast %slice3A_80 : vector<512x1xf32> to vector<512x256xf32>
      %sub3A_83 = vector.broadcast %slice3A_81 : vector<1x256xf32> to vector<512x256xf32>
      %sub3A_84 = arith.subf %sub3A_82, %sub3A_83 : vector<512x256xf32>
      %abs3A_85 = math.absf %sub3A_84 : vector<512x256xf32>
      %add3A_86 = arith.addf %abs3A_79, %abs3A_85 : vector<512x256xf32>
      %slice3A_87 = vector.extract_strided_slice %select_n3A {offsets = [0, 18], sizes = [512, 1], strides = [1, 1]} : vector<512x64xf32> to vector<512x1xf32>
      %slice3A_88 = vector.extract_strided_slice %get3A_21 {offsets = [18, 0], sizes = [1, 256], strides = [1, 1]} : vector<64x256xf32> to vector<1x256xf32>
      %sub3A_89 = vector.broadcast %slice3A_87 : vector<512x1xf32> to vector<512x256xf32>
      %sub3A_90 = vector.broadcast %slice3A_88 : vector<1x256xf32> to vector<512x256xf32>
      %sub3A_91 = arith.subf %sub3A_89, %sub3A_90 : vector<512x256xf32>
      %abs3A_92 = math.absf %sub3A_91 : vector<512x256xf32>
      %add3A_93 = arith.addf %add3A_86, %abs3A_92 : vector<512x256xf32>
      %slice3A_94 = vector.extract_strided_slice %select_n3A {offsets = [0, 26], sizes = [512, 1], strides = [1, 1]} : vector<512x64xf32> to vector<512x1xf32>
      %slice3A_95 = vector.extract_strided_slice %get3A_21 {offsets = [26, 0], sizes = [1, 256], strides = [1, 1]} : vector<64x256xf32> to vector<1x256xf32>
      %sub3A_96 = vector.broadcast %slice3A_94 : vector<512x1xf32> to vector<512x256xf32>
      %sub3A_97 = vector.broadcast %slice3A_95 : vector<1x256xf32> to vector<512x256xf32>
      %sub3A_98 = arith.subf %sub3A_96, %sub3A_97 : vector<512x256xf32>
      %abs3A_99 = math.absf %sub3A_98 : vector<512x256xf32>
      %add3A_100 = arith.addf %add3A_93, %abs3A_99 : vector<512x256xf32>
      %slice3A_101 = vector.extract_strided_slice %select_n3A {offsets = [0, 6], sizes = [512, 1], strides = [1, 1]} : vector<512x64xf32> to vector<512x1xf32>
      %slice3A_102 = vector.extract_strided_slice %get3A_21 {offsets = [6, 0], sizes = [1, 256], strides = [1, 1]} : vector<64x256xf32> to vector<1x256xf32>
      %sub3A_103 = vector.broadcast %slice3A_101 : vector<512x1xf32> to vector<512x256xf32>
      %sub3A_104 = vector.broadcast %slice3A_102 : vector<1x256xf32> to vector<512x256xf32>
      %sub3A_105 = arith.subf %sub3A_103, %sub3A_104 : vector<512x256xf32>
      %abs3A_106 = math.absf %sub3A_105 : vector<512x256xf32>
      %slice3A_107 = vector.extract_strided_slice %select_n3A {offsets = [0, 14], sizes = [512, 1], strides = [1, 1]} : vector<512x64xf32> to vector<512x1xf32>
      %slice3A_108 = vector.extract_strided_slice %get3A_21 {offsets = [14, 0], sizes = [1, 256], strides = [1, 1]} : vector<64x256xf32> to vector<1x256xf32>
      %sub3A_109 = vector.broadcast %slice3A_107 : vector<512x1xf32> to vector<512x256xf32>
      %sub3A_110 = vector.broadcast %slice3A_108 : vector<1x256xf32> to vector<512x256xf32>
      %sub3A_111 = arith.subf %sub3A_109, %sub3A_110 : vector<512x256xf32>
      %abs3A_112 = math.absf %sub3A_111 : vector<512x256xf32>
      %add3A_113 = arith.addf %abs3A_106, %abs3A_112 : vector<512x256xf32>
      %slice3A_114 = vector.extract_strided_slice %select_n3A {offsets = [0, 22], sizes = [512, 1], strides = [1, 1]} : vector<512x64xf32> to vector<512x1xf32>
      %slice3A_115 = vector.extract_strided_slice %get3A_21 {offsets = [22, 0], sizes = [1, 256], strides = [1, 1]} : vector<64x256xf32> to vector<1x256xf32>
      %sub3A_116 = vector.broadcast %slice3A_114 : vector<512x1xf32> to vector<512x256xf32>
      %sub3A_117 = vector.broadcast %slice3A_115 : vector<1x256xf32> to vector<512x256xf32>
      %sub3A_118 = arith.subf %sub3A_116, %sub3A_117 : vector<512x256xf32>
      %abs3A_119 = math.absf %sub3A_118 : vector<512x256xf32>
      %add3A_120 = arith.addf %add3A_113, %abs3A_119 : vector<512x256xf32>
      %slice3A_121 = vector.extract_strided_slice %select_n3A {offsets = [0, 30], sizes = [512, 1], strides = [1, 1]} : vector<512x64xf32> to vector<512x1xf32>
      %slice3A_122 = vector.extract_strided_slice %get3A_21 {offsets = [30, 0], sizes = [1, 256], strides = [1, 1]} : vector<64x256xf32> to vector<1x256xf32>
      %sub3A_123 = vector.broadcast %slice3A_121 : vector<512x1xf32> to vector<512x256xf32>
      %sub3A_124 = vector.broadcast %slice3A_122 : vector<1x256xf32> to vector<512x256xf32>
      %sub3A_125 = arith.subf %sub3A_123, %sub3A_124 : vector<512x256xf32>
      %abs3A_126 = math.absf %sub3A_125 : vector<512x256xf32>
      %add3A_127 = arith.addf %add3A_120, %abs3A_126 : vector<512x256xf32>
      %add3A_128 = arith.addf %add3A_100, %add3A_127 : vector<512x256xf32>
      %add3A_129 = arith.addf %add3A_73, %add3A_128 : vector<512x256xf32>
      %slice3A_130 = vector.extract_strided_slice %select_n3A {offsets = [0, 1], sizes = [512, 1], strides = [1, 1]} : vector<512x64xf32> to vector<512x1xf32>
      %slice3A_131 = vector.extract_strided_slice %get3A_21 {offsets = [1, 0], sizes = [1, 256], strides = [1, 1]} : vector<64x256xf32> to vector<1x256xf32>
      %sub3A_132 = vector.broadcast %slice3A_130 : vector<512x1xf32> to vector<512x256xf32>
      %sub3A_133 = vector.broadcast %slice3A_131 : vector<1x256xf32> to vector<512x256xf32>
      %sub3A_134 = arith.subf %sub3A_132, %sub3A_133 : vector<512x256xf32>
      %abs3A_135 = math.absf %sub3A_134 : vector<512x256xf32>
      %slice3A_136 = vector.extract_strided_slice %select_n3A {offsets = [0, 9], sizes = [512, 1], strides = [1, 1]} : vector<512x64xf32> to vector<512x1xf32>
      %slice3A_137 = vector.extract_strided_slice %get3A_21 {offsets = [9, 0], sizes = [1, 256], strides = [1, 1]} : vector<64x256xf32> to vector<1x256xf32>
      %sub3A_138 = vector.broadcast %slice3A_136 : vector<512x1xf32> to vector<512x256xf32>
      %sub3A_139 = vector.broadcast %slice3A_137 : vector<1x256xf32> to vector<512x256xf32>
      %sub3A_140 = arith.subf %sub3A_138, %sub3A_139 : vector<512x256xf32>
      %abs3A_141 = math.absf %sub3A_140 : vector<512x256xf32>
      %add3A_142 = arith.addf %abs3A_135, %abs3A_141 : vector<512x256xf32>
      %slice3A_143 = vector.extract_strided_slice %select_n3A {offsets = [0, 17], sizes = [512, 1], strides = [1, 1]} : vector<512x64xf32> to vector<512x1xf32>
      %slice3A_144 = vector.extract_strided_slice %get3A_21 {offsets = [17, 0], sizes = [1, 256], strides = [1, 1]} : vector<64x256xf32> to vector<1x256xf32>
      %sub3A_145 = vector.broadcast %slice3A_143 : vector<512x1xf32> to vector<512x256xf32>
      %sub3A_146 = vector.broadcast %slice3A_144 : vector<1x256xf32> to vector<512x256xf32>
      %sub3A_147 = arith.subf %sub3A_145, %sub3A_146 : vector<512x256xf32>
      %abs3A_148 = math.absf %sub3A_147 : vector<512x256xf32>
      %add3A_149 = arith.addf %add3A_142, %abs3A_148 : vector<512x256xf32>
      %slice3A_150 = vector.extract_strided_slice %select_n3A {offsets = [0, 25], sizes = [512, 1], strides = [1, 1]} : vector<512x64xf32> to vector<512x1xf32>
      %slice3A_151 = vector.extract_strided_slice %get3A_21 {offsets = [25, 0], sizes = [1, 256], strides = [1, 1]} : vector<64x256xf32> to vector<1x256xf32>
      %sub3A_152 = vector.broadcast %slice3A_150 : vector<512x1xf32> to vector<512x256xf32>
      %sub3A_153 = vector.broadcast %slice3A_151 : vector<1x256xf32> to vector<512x256xf32>
      %sub3A_154 = arith.subf %sub3A_152, %sub3A_153 : vector<512x256xf32>
      %abs3A_155 = math.absf %sub3A_154 : vector<512x256xf32>
      %add3A_156 = arith.addf %add3A_149, %abs3A_155 : vector<512x256xf32>
      %slice3A_157 = vector.extract_strided_slice %select_n3A {offsets = [0, 5], sizes = [512, 1], strides = [1, 1]} : vector<512x64xf32> to vector<512x1xf32>
      %slice3A_158 = vector.extract_strided_slice %get3A_21 {offsets = [5, 0], sizes = [1, 256], strides = [1, 1]} : vector<64x256xf32> to vector<1x256xf32>
      %sub3A_159 = vector.broadcast %slice3A_157 : vector<512x1xf32> to vector<512x256xf32>
      %sub3A_160 = vector.broadcast %slice3A_158 : vector<1x256xf32> to vector<512x256xf32>
      %sub3A_161 = arith.subf %sub3A_159, %sub3A_160 : vector<512x256xf32>
      %abs3A_162 = math.absf %sub3A_161 : vector<512x256xf32>
      %slice3A_163 = vector.extract_strided_slice %select_n3A {offsets = [0, 13], sizes = [512, 1], strides = [1, 1]} : vector<512x64xf32> to vector<512x1xf32>
      %slice3A_164 = vector.extract_strided_slice %get3A_21 {offsets = [13, 0], sizes = [1, 256], strides = [1, 1]} : vector<64x256xf32> to vector<1x256xf32>
      %sub3A_165 = vector.broadcast %slice3A_163 : vector<512x1xf32> to vector<512x256xf32>
      %sub3A_166 = vector.broadcast %slice3A_164 : vector<1x256xf32> to vector<512x256xf32>
      %sub3A_167 = arith.subf %sub3A_165, %sub3A_166 : vector<512x256xf32>
      %abs3A_168 = math.absf %sub3A_167 : vector<512x256xf32>
      %add3A_169 = arith.addf %abs3A_162, %abs3A_168 : vector<512x256xf32>
      %slice3A_170 = vector.extract_strided_slice %select_n3A {offsets = [0, 21], sizes = [512, 1], strides = [1, 1]} : vector<512x64xf32> to vector<512x1xf32>
      %slice3A_171 = vector.extract_strided_slice %get3A_21 {offsets = [21, 0], sizes = [1, 256], strides = [1, 1]} : vector<64x256xf32> to vector<1x256xf32>
      %sub3A_172 = vector.broadcast %slice3A_170 : vector<512x1xf32> to vector<512x256xf32>
      %sub3A_173 = vector.broadcast %slice3A_171 : vector<1x256xf32> to vector<512x256xf32>
      %sub3A_174 = arith.subf %sub3A_172, %sub3A_173 : vector<512x256xf32>
      %abs3A_175 = math.absf %sub3A_174 : vector<512x256xf32>
      %add3A_176 = arith.addf %add3A_169, %abs3A_175 : vector<512x256xf32>
      %slice3A_177 = vector.extract_strided_slice %select_n3A {offsets = [0, 29], sizes = [512, 1], strides = [1, 1]} : vector<512x64xf32> to vector<512x1xf32>
      %slice3A_178 = vector.extract_strided_slice %get3A_21 {offsets = [29, 0], sizes = [1, 256], strides = [1, 1]} : vector<64x256xf32> to vector<1x256xf32>
      %sub3A_179 = vector.broadcast %slice3A_177 : vector<512x1xf32> to vector<512x256xf32>
      %sub3A_180 = vector.broadcast %slice3A_178 : vector<1x256xf32> to vector<512x256xf32>
      %sub3A_181 = arith.subf %sub3A_179, %sub3A_180 : vector<512x256xf32>
      %abs3A_182 = math.absf %sub3A_181 : vector<512x256xf32>
      %add3A_183 = arith.addf %add3A_176, %abs3A_182 : vector<512x256xf32>
      %add3A_184 = arith.addf %add3A_156, %add3A_183 : vector<512x256xf32>
      %slice3A_185 = vector.extract_strided_slice %select_n3A {offsets = [0, 3], sizes = [512, 1], strides = [1, 1]} : vector<512x64xf32> to vector<512x1xf32>
      %slice3A_186 = vector.extract_strided_slice %get3A_21 {offsets = [3, 0], sizes = [1, 256], strides = [1, 1]} : vector<64x256xf32> to vector<1x256xf32>
      %sub3A_187 = vector.broadcast %slice3A_185 : vector<512x1xf32> to vector<512x256xf32>
      %sub3A_188 = vector.broadcast %slice3A_186 : vector<1x256xf32> to vector<512x256xf32>
      %sub3A_189 = arith.subf %sub3A_187, %sub3A_188 : vector<512x256xf32>
      %abs3A_190 = math.absf %sub3A_189 : vector<512x256xf32>
      %slice3A_191 = vector.extract_strided_slice %select_n3A {offsets = [0, 11], sizes = [512, 1], strides = [1, 1]} : vector<512x64xf32> to vector<512x1xf32>
      %slice3A_192 = vector.extract_strided_slice %get3A_21 {offsets = [11, 0], sizes = [1, 256], strides = [1, 1]} : vector<64x256xf32> to vector<1x256xf32>
      %sub3A_193 = vector.broadcast %slice3A_191 : vector<512x1xf32> to vector<512x256xf32>
      %sub3A_194 = vector.broadcast %slice3A_192 : vector<1x256xf32> to vector<512x256xf32>
      %sub3A_195 = arith.subf %sub3A_193, %sub3A_194 : vector<512x256xf32>
      %abs3A_196 = math.absf %sub3A_195 : vector<512x256xf32>
      %add3A_197 = arith.addf %abs3A_190, %abs3A_196 : vector<512x256xf32>
      %slice3A_198 = vector.extract_strided_slice %select_n3A {offsets = [0, 19], sizes = [512, 1], strides = [1, 1]} : vector<512x64xf32> to vector<512x1xf32>
      %slice3A_199 = vector.extract_strided_slice %get3A_21 {offsets = [19, 0], sizes = [1, 256], strides = [1, 1]} : vector<64x256xf32> to vector<1x256xf32>
      %sub3A_200 = vector.broadcast %slice3A_198 : vector<512x1xf32> to vector<512x256xf32>
      %sub3A_201 = vector.broadcast %slice3A_199 : vector<1x256xf32> to vector<512x256xf32>
      %sub3A_202 = arith.subf %sub3A_200, %sub3A_201 : vector<512x256xf32>
      %abs3A_203 = math.absf %sub3A_202 : vector<512x256xf32>
      %add3A_204 = arith.addf %add3A_197, %abs3A_203 : vector<512x256xf32>
      %slice3A_205 = vector.extract_strided_slice %select_n3A {offsets = [0, 27], sizes = [512, 1], strides = [1, 1]} : vector<512x64xf32> to vector<512x1xf32>
      %slice3A_206 = vector.extract_strided_slice %get3A_21 {offsets = [27, 0], sizes = [1, 256], strides = [1, 1]} : vector<64x256xf32> to vector<1x256xf32>
      %sub3A_207 = vector.broadcast %slice3A_205 : vector<512x1xf32> to vector<512x256xf32>
      %sub3A_208 = vector.broadcast %slice3A_206 : vector<1x256xf32> to vector<512x256xf32>
      %sub3A_209 = arith.subf %sub3A_207, %sub3A_208 : vector<512x256xf32>
      %abs3A_210 = math.absf %sub3A_209 : vector<512x256xf32>
      %add3A_211 = arith.addf %add3A_204, %abs3A_210 : vector<512x256xf32>
      %slice3A_212 = vector.extract_strided_slice %select_n3A {offsets = [0, 7], sizes = [512, 1], strides = [1, 1]} : vector<512x64xf32> to vector<512x1xf32>
      %slice3A_213 = vector.extract_strided_slice %get3A_21 {offsets = [7, 0], sizes = [1, 256], strides = [1, 1]} : vector<64x256xf32> to vector<1x256xf32>
      %sub3A_214 = vector.broadcast %slice3A_212 : vector<512x1xf32> to vector<512x256xf32>
      %sub3A_215 = vector.broadcast %slice3A_213 : vector<1x256xf32> to vector<512x256xf32>
      %sub3A_216 = arith.subf %sub3A_214, %sub3A_215 : vector<512x256xf32>
      %abs3A_217 = math.absf %sub3A_216 : vector<512x256xf32>
      %slice3A_218 = vector.extract_strided_slice %select_n3A {offsets = [0, 15], sizes = [512, 1], strides = [1, 1]} : vector<512x64xf32> to vector<512x1xf32>
      %slice3A_219 = vector.extract_strided_slice %get3A_21 {offsets = [15, 0], sizes = [1, 256], strides = [1, 1]} : vector<64x256xf32> to vector<1x256xf32>
      %sub3A_220 = vector.broadcast %slice3A_218 : vector<512x1xf32> to vector<512x256xf32>
      %sub3A_221 = vector.broadcast %slice3A_219 : vector<1x256xf32> to vector<512x256xf32>
      %sub3A_222 = arith.subf %sub3A_220, %sub3A_221 : vector<512x256xf32>
      %abs3A_223 = math.absf %sub3A_222 : vector<512x256xf32>
      %add3A_224 = arith.addf %abs3A_217, %abs3A_223 : vector<512x256xf32>
      %slice3A_225 = vector.extract_strided_slice %select_n3A {offsets = [0, 23], sizes = [512, 1], strides = [1, 1]} : vector<512x64xf32> to vector<512x1xf32>
      %slice3A_226 = vector.extract_strided_slice %get3A_21 {offsets = [23, 0], sizes = [1, 256], strides = [1, 1]} : vector<64x256xf32> to vector<1x256xf32>
      %sub3A_227 = vector.broadcast %slice3A_225 : vector<512x1xf32> to vector<512x256xf32>
      %sub3A_228 = vector.broadcast %slice3A_226 : vector<1x256xf32> to vector<512x256xf32>
      %sub3A_229 = arith.subf %sub3A_227, %sub3A_228 : vector<512x256xf32>
      %abs3A_230 = math.absf %sub3A_229 : vector<512x256xf32>
      %add3A_231 = arith.addf %add3A_224, %abs3A_230 : vector<512x256xf32>
      %slice3A_232 = vector.extract_strided_slice %select_n3A {offsets = [0, 31], sizes = [512, 1], strides = [1, 1]} : vector<512x64xf32> to vector<512x1xf32>
      %slice3A_233 = vector.extract_strided_slice %get3A_21 {offsets = [31, 0], sizes = [1, 256], strides = [1, 1]} : vector<64x256xf32> to vector<1x256xf32>
      %sub3A_234 = vector.broadcast %slice3A_232 : vector<512x1xf32> to vector<512x256xf32>
      %sub3A_235 = vector.broadcast %slice3A_233 : vector<1x256xf32> to vector<512x256xf32>
      %sub3A_236 = arith.subf %sub3A_234, %sub3A_235 : vector<512x256xf32>
      %abs3A_237 = math.absf %sub3A_236 : vector<512x256xf32>
      %add3A_238 = arith.addf %add3A_231, %abs3A_237 : vector<512x256xf32>
      %add3A_239 = arith.addf %add3A_211, %add3A_238 : vector<512x256xf32>
      %add3A_240 = arith.addf %add3A_184, %add3A_239 : vector<512x256xf32>
      %add3A_241 = arith.addf %add3A_129, %add3A_240 : vector<512x256xf32>
      %slice3A_242 = vector.extract_strided_slice %select_n3A {offsets = [0, 32], sizes = [512, 1], strides = [1, 1]} : vector<512x64xf32> to vector<512x1xf32>
      %slice3A_243 = vector.extract_strided_slice %get3A_21 {offsets = [32, 0], sizes = [1, 256], strides = [1, 1]} : vector<64x256xf32> to vector<1x256xf32>
      %sub3A_244 = vector.broadcast %slice3A_242 : vector<512x1xf32> to vector<512x256xf32>
      %sub3A_245 = vector.broadcast %slice3A_243 : vector<1x256xf32> to vector<512x256xf32>
      %sub3A_246 = arith.subf %sub3A_244, %sub3A_245 : vector<512x256xf32>
      %abs3A_247 = math.absf %sub3A_246 : vector<512x256xf32>
      %slice3A_248 = vector.extract_strided_slice %select_n3A {offsets = [0, 40], sizes = [512, 1], strides = [1, 1]} : vector<512x64xf32> to vector<512x1xf32>
      %slice3A_249 = vector.extract_strided_slice %get3A_21 {offsets = [40, 0], sizes = [1, 256], strides = [1, 1]} : vector<64x256xf32> to vector<1x256xf32>
      %sub3A_250 = vector.broadcast %slice3A_248 : vector<512x1xf32> to vector<512x256xf32>
      %sub3A_251 = vector.broadcast %slice3A_249 : vector<1x256xf32> to vector<512x256xf32>
      %sub3A_252 = arith.subf %sub3A_250, %sub3A_251 : vector<512x256xf32>
      %abs3A_253 = math.absf %sub3A_252 : vector<512x256xf32>
      %add3A_254 = arith.addf %abs3A_247, %abs3A_253 : vector<512x256xf32>
      %slice3A_255 = vector.extract_strided_slice %select_n3A {offsets = [0, 48], sizes = [512, 1], strides = [1, 1]} : vector<512x64xf32> to vector<512x1xf32>
      %slice3A_256 = vector.extract_strided_slice %get3A_21 {offsets = [48, 0], sizes = [1, 256], strides = [1, 1]} : vector<64x256xf32> to vector<1x256xf32>
      %sub3A_257 = vector.broadcast %slice3A_255 : vector<512x1xf32> to vector<512x256xf32>
      %sub3A_258 = vector.broadcast %slice3A_256 : vector<1x256xf32> to vector<512x256xf32>
      %sub3A_259 = arith.subf %sub3A_257, %sub3A_258 : vector<512x256xf32>
      %abs3A_260 = math.absf %sub3A_259 : vector<512x256xf32>
      %add3A_261 = arith.addf %add3A_254, %abs3A_260 : vector<512x256xf32>
      %slice3A_262 = vector.extract_strided_slice %select_n3A {offsets = [0, 56], sizes = [512, 1], strides = [1, 1]} : vector<512x64xf32> to vector<512x1xf32>
      %slice3A_263 = vector.extract_strided_slice %get3A_21 {offsets = [56, 0], sizes = [1, 256], strides = [1, 1]} : vector<64x256xf32> to vector<1x256xf32>
      %sub3A_264 = vector.broadcast %slice3A_262 : vector<512x1xf32> to vector<512x256xf32>
      %sub3A_265 = vector.broadcast %slice3A_263 : vector<1x256xf32> to vector<512x256xf32>
      %sub3A_266 = arith.subf %sub3A_264, %sub3A_265 : vector<512x256xf32>
      %abs3A_267 = math.absf %sub3A_266 : vector<512x256xf32>
      %add3A_268 = arith.addf %add3A_261, %abs3A_267 : vector<512x256xf32>
      %slice3A_269 = vector.extract_strided_slice %select_n3A {offsets = [0, 36], sizes = [512, 1], strides = [1, 1]} : vector<512x64xf32> to vector<512x1xf32>
      %slice3A_270 = vector.extract_strided_slice %get3A_21 {offsets = [36, 0], sizes = [1, 256], strides = [1, 1]} : vector<64x256xf32> to vector<1x256xf32>
      %sub3A_271 = vector.broadcast %slice3A_269 : vector<512x1xf32> to vector<512x256xf32>
      %sub3A_272 = vector.broadcast %slice3A_270 : vector<1x256xf32> to vector<512x256xf32>
      %sub3A_273 = arith.subf %sub3A_271, %sub3A_272 : vector<512x256xf32>
      %abs3A_274 = math.absf %sub3A_273 : vector<512x256xf32>
      %slice3A_275 = vector.extract_strided_slice %select_n3A {offsets = [0, 44], sizes = [512, 1], strides = [1, 1]} : vector<512x64xf32> to vector<512x1xf32>
      %slice3A_276 = vector.extract_strided_slice %get3A_21 {offsets = [44, 0], sizes = [1, 256], strides = [1, 1]} : vector<64x256xf32> to vector<1x256xf32>
      %sub3A_277 = vector.broadcast %slice3A_275 : vector<512x1xf32> to vector<512x256xf32>
      %sub3A_278 = vector.broadcast %slice3A_276 : vector<1x256xf32> to vector<512x256xf32>
      %sub3A_279 = arith.subf %sub3A_277, %sub3A_278 : vector<512x256xf32>
      %abs3A_280 = math.absf %sub3A_279 : vector<512x256xf32>
      %add3A_281 = arith.addf %abs3A_274, %abs3A_280 : vector<512x256xf32>
      %slice3A_282 = vector.extract_strided_slice %select_n3A {offsets = [0, 52], sizes = [512, 1], strides = [1, 1]} : vector<512x64xf32> to vector<512x1xf32>
      %slice3A_283 = vector.extract_strided_slice %get3A_21 {offsets = [52, 0], sizes = [1, 256], strides = [1, 1]} : vector<64x256xf32> to vector<1x256xf32>
      %sub3A_284 = vector.broadcast %slice3A_282 : vector<512x1xf32> to vector<512x256xf32>
      %sub3A_285 = vector.broadcast %slice3A_283 : vector<1x256xf32> to vector<512x256xf32>
      %sub3A_286 = arith.subf %sub3A_284, %sub3A_285 : vector<512x256xf32>
      %abs3A_287 = math.absf %sub3A_286 : vector<512x256xf32>
      %add3A_288 = arith.addf %add3A_281, %abs3A_287 : vector<512x256xf32>
      %slice3A_289 = vector.extract_strided_slice %select_n3A {offsets = [0, 60], sizes = [512, 1], strides = [1, 1]} : vector<512x64xf32> to vector<512x1xf32>
      %slice3A_290 = vector.extract_strided_slice %get3A_21 {offsets = [60, 0], sizes = [1, 256], strides = [1, 1]} : vector<64x256xf32> to vector<1x256xf32>
      %sub3A_291 = vector.broadcast %slice3A_289 : vector<512x1xf32> to vector<512x256xf32>
      %sub3A_292 = vector.broadcast %slice3A_290 : vector<1x256xf32> to vector<512x256xf32>
      %sub3A_293 = arith.subf %sub3A_291, %sub3A_292 : vector<512x256xf32>
      %abs3A_294 = math.absf %sub3A_293 : vector<512x256xf32>
      %add3A_295 = arith.addf %add3A_288, %abs3A_294 : vector<512x256xf32>
      %add3A_296 = arith.addf %add3A_268, %add3A_295 : vector<512x256xf32>
      %slice3A_297 = vector.extract_strided_slice %select_n3A {offsets = [0, 34], sizes = [512, 1], strides = [1, 1]} : vector<512x64xf32> to vector<512x1xf32>
      %slice3A_298 = vector.extract_strided_slice %get3A_21 {offsets = [34, 0], sizes = [1, 256], strides = [1, 1]} : vector<64x256xf32> to vector<1x256xf32>
      %sub3A_299 = vector.broadcast %slice3A_297 : vector<512x1xf32> to vector<512x256xf32>
      %sub3A_300 = vector.broadcast %slice3A_298 : vector<1x256xf32> to vector<512x256xf32>
      %sub3A_301 = arith.subf %sub3A_299, %sub3A_300 : vector<512x256xf32>
      %abs3A_302 = math.absf %sub3A_301 : vector<512x256xf32>
      %slice3A_303 = vector.extract_strided_slice %select_n3A {offsets = [0, 42], sizes = [512, 1], strides = [1, 1]} : vector<512x64xf32> to vector<512x1xf32>
      %slice3A_304 = vector.extract_strided_slice %get3A_21 {offsets = [42, 0], sizes = [1, 256], strides = [1, 1]} : vector<64x256xf32> to vector<1x256xf32>
      %sub3A_305 = vector.broadcast %slice3A_303 : vector<512x1xf32> to vector<512x256xf32>
      %sub3A_306 = vector.broadcast %slice3A_304 : vector<1x256xf32> to vector<512x256xf32>
      %sub3A_307 = arith.subf %sub3A_305, %sub3A_306 : vector<512x256xf32>
      %abs3A_308 = math.absf %sub3A_307 : vector<512x256xf32>
      %add3A_309 = arith.addf %abs3A_302, %abs3A_308 : vector<512x256xf32>
      %slice3A_310 = vector.extract_strided_slice %select_n3A {offsets = [0, 50], sizes = [512, 1], strides = [1, 1]} : vector<512x64xf32> to vector<512x1xf32>
      %slice3A_311 = vector.extract_strided_slice %get3A_21 {offsets = [50, 0], sizes = [1, 256], strides = [1, 1]} : vector<64x256xf32> to vector<1x256xf32>
      %sub3A_312 = vector.broadcast %slice3A_310 : vector<512x1xf32> to vector<512x256xf32>
      %sub3A_313 = vector.broadcast %slice3A_311 : vector<1x256xf32> to vector<512x256xf32>
      %sub3A_314 = arith.subf %sub3A_312, %sub3A_313 : vector<512x256xf32>
      %abs3A_315 = math.absf %sub3A_314 : vector<512x256xf32>
      %add3A_316 = arith.addf %add3A_309, %abs3A_315 : vector<512x256xf32>
      %slice3A_317 = vector.extract_strided_slice %select_n3A {offsets = [0, 58], sizes = [512, 1], strides = [1, 1]} : vector<512x64xf32> to vector<512x1xf32>
      %slice3A_318 = vector.extract_strided_slice %get3A_21 {offsets = [58, 0], sizes = [1, 256], strides = [1, 1]} : vector<64x256xf32> to vector<1x256xf32>
      %sub3A_319 = vector.broadcast %slice3A_317 : vector<512x1xf32> to vector<512x256xf32>
      %sub3A_320 = vector.broadcast %slice3A_318 : vector<1x256xf32> to vector<512x256xf32>
      %sub3A_321 = arith.subf %sub3A_319, %sub3A_320 : vector<512x256xf32>
      %abs3A_322 = math.absf %sub3A_321 : vector<512x256xf32>
      %add3A_323 = arith.addf %add3A_316, %abs3A_322 : vector<512x256xf32>
      %slice3A_324 = vector.extract_strided_slice %select_n3A {offsets = [0, 38], sizes = [512, 1], strides = [1, 1]} : vector<512x64xf32> to vector<512x1xf32>
      %slice3A_325 = vector.extract_strided_slice %get3A_21 {offsets = [38, 0], sizes = [1, 256], strides = [1, 1]} : vector<64x256xf32> to vector<1x256xf32>
      %sub3A_326 = vector.broadcast %slice3A_324 : vector<512x1xf32> to vector<512x256xf32>
      %sub3A_327 = vector.broadcast %slice3A_325 : vector<1x256xf32> to vector<512x256xf32>
      %sub3A_328 = arith.subf %sub3A_326, %sub3A_327 : vector<512x256xf32>
      %abs3A_329 = math.absf %sub3A_328 : vector<512x256xf32>
      %slice3A_330 = vector.extract_strided_slice %select_n3A {offsets = [0, 46], sizes = [512, 1], strides = [1, 1]} : vector<512x64xf32> to vector<512x1xf32>
      %slice3A_331 = vector.extract_strided_slice %get3A_21 {offsets = [46, 0], sizes = [1, 256], strides = [1, 1]} : vector<64x256xf32> to vector<1x256xf32>
      %sub3A_332 = vector.broadcast %slice3A_330 : vector<512x1xf32> to vector<512x256xf32>
      %sub3A_333 = vector.broadcast %slice3A_331 : vector<1x256xf32> to vector<512x256xf32>
      %sub3A_334 = arith.subf %sub3A_332, %sub3A_333 : vector<512x256xf32>
      %abs3A_335 = math.absf %sub3A_334 : vector<512x256xf32>
      %add3A_336 = arith.addf %abs3A_329, %abs3A_335 : vector<512x256xf32>
      %slice3A_337 = vector.extract_strided_slice %select_n3A {offsets = [0, 54], sizes = [512, 1], strides = [1, 1]} : vector<512x64xf32> to vector<512x1xf32>
      %slice3A_338 = vector.extract_strided_slice %get3A_21 {offsets = [54, 0], sizes = [1, 256], strides = [1, 1]} : vector<64x256xf32> to vector<1x256xf32>
      %sub3A_339 = vector.broadcast %slice3A_337 : vector<512x1xf32> to vector<512x256xf32>
      %sub3A_340 = vector.broadcast %slice3A_338 : vector<1x256xf32> to vector<512x256xf32>
      %sub3A_341 = arith.subf %sub3A_339, %sub3A_340 : vector<512x256xf32>
      %abs3A_342 = math.absf %sub3A_341 : vector<512x256xf32>
      %add3A_343 = arith.addf %add3A_336, %abs3A_342 : vector<512x256xf32>
      %slice3A_344 = vector.extract_strided_slice %select_n3A {offsets = [0, 62], sizes = [512, 1], strides = [1, 1]} : vector<512x64xf32> to vector<512x1xf32>
      %slice3A_345 = vector.extract_strided_slice %get3A_21 {offsets = [62, 0], sizes = [1, 256], strides = [1, 1]} : vector<64x256xf32> to vector<1x256xf32>
      %sub3A_346 = vector.broadcast %slice3A_344 : vector<512x1xf32> to vector<512x256xf32>
      %sub3A_347 = vector.broadcast %slice3A_345 : vector<1x256xf32> to vector<512x256xf32>
      %sub3A_348 = arith.subf %sub3A_346, %sub3A_347 : vector<512x256xf32>
      %abs3A_349 = math.absf %sub3A_348 : vector<512x256xf32>
      %add3A_350 = arith.addf %add3A_343, %abs3A_349 : vector<512x256xf32>
      %add3A_351 = arith.addf %add3A_323, %add3A_350 : vector<512x256xf32>
      %add3A_352 = arith.addf %add3A_296, %add3A_351 : vector<512x256xf32>
      %slice3A_353 = vector.extract_strided_slice %select_n3A {offsets = [0, 33], sizes = [512, 1], strides = [1, 1]} : vector<512x64xf32> to vector<512x1xf32>
      %slice3A_354 = vector.extract_strided_slice %get3A_21 {offsets = [33, 0], sizes = [1, 256], strides = [1, 1]} : vector<64x256xf32> to vector<1x256xf32>
      %sub3A_355 = vector.broadcast %slice3A_353 : vector<512x1xf32> to vector<512x256xf32>
      %sub3A_356 = vector.broadcast %slice3A_354 : vector<1x256xf32> to vector<512x256xf32>
      %sub3A_357 = arith.subf %sub3A_355, %sub3A_356 : vector<512x256xf32>
      %abs3A_358 = math.absf %sub3A_357 : vector<512x256xf32>
      %slice3A_359 = vector.extract_strided_slice %select_n3A {offsets = [0, 41], sizes = [512, 1], strides = [1, 1]} : vector<512x64xf32> to vector<512x1xf32>
      %slice3A_360 = vector.extract_strided_slice %get3A_21 {offsets = [41, 0], sizes = [1, 256], strides = [1, 1]} : vector<64x256xf32> to vector<1x256xf32>
      %sub3A_361 = vector.broadcast %slice3A_359 : vector<512x1xf32> to vector<512x256xf32>
      %sub3A_362 = vector.broadcast %slice3A_360 : vector<1x256xf32> to vector<512x256xf32>
      %sub3A_363 = arith.subf %sub3A_361, %sub3A_362 : vector<512x256xf32>
      %abs3A_364 = math.absf %sub3A_363 : vector<512x256xf32>
      %add3A_365 = arith.addf %abs3A_358, %abs3A_364 : vector<512x256xf32>
      %slice3A_366 = vector.extract_strided_slice %select_n3A {offsets = [0, 49], sizes = [512, 1], strides = [1, 1]} : vector<512x64xf32> to vector<512x1xf32>
      %slice3A_367 = vector.extract_strided_slice %get3A_21 {offsets = [49, 0], sizes = [1, 256], strides = [1, 1]} : vector<64x256xf32> to vector<1x256xf32>
      %sub3A_368 = vector.broadcast %slice3A_366 : vector<512x1xf32> to vector<512x256xf32>
      %sub3A_369 = vector.broadcast %slice3A_367 : vector<1x256xf32> to vector<512x256xf32>
      %sub3A_370 = arith.subf %sub3A_368, %sub3A_369 : vector<512x256xf32>
      %abs3A_371 = math.absf %sub3A_370 : vector<512x256xf32>
      %add3A_372 = arith.addf %add3A_365, %abs3A_371 : vector<512x256xf32>
      %slice3A_373 = vector.extract_strided_slice %select_n3A {offsets = [0, 57], sizes = [512, 1], strides = [1, 1]} : vector<512x64xf32> to vector<512x1xf32>
      %slice3A_374 = vector.extract_strided_slice %get3A_21 {offsets = [57, 0], sizes = [1, 256], strides = [1, 1]} : vector<64x256xf32> to vector<1x256xf32>
      %sub3A_375 = vector.broadcast %slice3A_373 : vector<512x1xf32> to vector<512x256xf32>
      %sub3A_376 = vector.broadcast %slice3A_374 : vector<1x256xf32> to vector<512x256xf32>
      %sub3A_377 = arith.subf %sub3A_375, %sub3A_376 : vector<512x256xf32>
      %abs3A_378 = math.absf %sub3A_377 : vector<512x256xf32>
      %add3A_379 = arith.addf %add3A_372, %abs3A_378 : vector<512x256xf32>
      %slice3A_380 = vector.extract_strided_slice %select_n3A {offsets = [0, 37], sizes = [512, 1], strides = [1, 1]} : vector<512x64xf32> to vector<512x1xf32>
      %slice3A_381 = vector.extract_strided_slice %get3A_21 {offsets = [37, 0], sizes = [1, 256], strides = [1, 1]} : vector<64x256xf32> to vector<1x256xf32>
      %sub3A_382 = vector.broadcast %slice3A_380 : vector<512x1xf32> to vector<512x256xf32>
      %sub3A_383 = vector.broadcast %slice3A_381 : vector<1x256xf32> to vector<512x256xf32>
      %sub3A_384 = arith.subf %sub3A_382, %sub3A_383 : vector<512x256xf32>
      %abs3A_385 = math.absf %sub3A_384 : vector<512x256xf32>
      %slice3A_386 = vector.extract_strided_slice %select_n3A {offsets = [0, 45], sizes = [512, 1], strides = [1, 1]} : vector<512x64xf32> to vector<512x1xf32>
      %slice3A_387 = vector.extract_strided_slice %get3A_21 {offsets = [45, 0], sizes = [1, 256], strides = [1, 1]} : vector<64x256xf32> to vector<1x256xf32>
      %sub3A_388 = vector.broadcast %slice3A_386 : vector<512x1xf32> to vector<512x256xf32>
      %sub3A_389 = vector.broadcast %slice3A_387 : vector<1x256xf32> to vector<512x256xf32>
      %sub3A_390 = arith.subf %sub3A_388, %sub3A_389 : vector<512x256xf32>
      %abs3A_391 = math.absf %sub3A_390 : vector<512x256xf32>
      %add3A_392 = arith.addf %abs3A_385, %abs3A_391 : vector<512x256xf32>
      %slice3A_393 = vector.extract_strided_slice %select_n3A {offsets = [0, 53], sizes = [512, 1], strides = [1, 1]} : vector<512x64xf32> to vector<512x1xf32>
      %slice3A_394 = vector.extract_strided_slice %get3A_21 {offsets = [53, 0], sizes = [1, 256], strides = [1, 1]} : vector<64x256xf32> to vector<1x256xf32>
      %sub3A_395 = vector.broadcast %slice3A_393 : vector<512x1xf32> to vector<512x256xf32>
      %sub3A_396 = vector.broadcast %slice3A_394 : vector<1x256xf32> to vector<512x256xf32>
      %sub3A_397 = arith.subf %sub3A_395, %sub3A_396 : vector<512x256xf32>
      %abs3A_398 = math.absf %sub3A_397 : vector<512x256xf32>
      %add3A_399 = arith.addf %add3A_392, %abs3A_398 : vector<512x256xf32>
      %slice3A_400 = vector.extract_strided_slice %select_n3A {offsets = [0, 61], sizes = [512, 1], strides = [1, 1]} : vector<512x64xf32> to vector<512x1xf32>
      %slice3A_401 = vector.extract_strided_slice %get3A_21 {offsets = [61, 0], sizes = [1, 256], strides = [1, 1]} : vector<64x256xf32> to vector<1x256xf32>
      %sub3A_402 = vector.broadcast %slice3A_400 : vector<512x1xf32> to vector<512x256xf32>
      %sub3A_403 = vector.broadcast %slice3A_401 : vector<1x256xf32> to vector<512x256xf32>
      %sub3A_404 = arith.subf %sub3A_402, %sub3A_403 : vector<512x256xf32>
      %abs3A_405 = math.absf %sub3A_404 : vector<512x256xf32>
      %add3A_406 = arith.addf %add3A_399, %abs3A_405 : vector<512x256xf32>
      %add3A_407 = arith.addf %add3A_379, %add3A_406 : vector<512x256xf32>
      %slice3A_408 = vector.extract_strided_slice %select_n3A {offsets = [0, 35], sizes = [512, 1], strides = [1, 1]} : vector<512x64xf32> to vector<512x1xf32>
      %slice3A_409 = vector.extract_strided_slice %get3A_21 {offsets = [35, 0], sizes = [1, 256], strides = [1, 1]} : vector<64x256xf32> to vector<1x256xf32>
      %sub3A_410 = vector.broadcast %slice3A_408 : vector<512x1xf32> to vector<512x256xf32>
      %sub3A_411 = vector.broadcast %slice3A_409 : vector<1x256xf32> to vector<512x256xf32>
      %sub3A_412 = arith.subf %sub3A_410, %sub3A_411 : vector<512x256xf32>
      %abs3A_413 = math.absf %sub3A_412 : vector<512x256xf32>
      %slice3A_414 = vector.extract_strided_slice %select_n3A {offsets = [0, 43], sizes = [512, 1], strides = [1, 1]} : vector<512x64xf32> to vector<512x1xf32>
      %slice3A_415 = vector.extract_strided_slice %get3A_21 {offsets = [43, 0], sizes = [1, 256], strides = [1, 1]} : vector<64x256xf32> to vector<1x256xf32>
      %sub3A_416 = vector.broadcast %slice3A_414 : vector<512x1xf32> to vector<512x256xf32>
      %sub3A_417 = vector.broadcast %slice3A_415 : vector<1x256xf32> to vector<512x256xf32>
      %sub3A_418 = arith.subf %sub3A_416, %sub3A_417 : vector<512x256xf32>
      %abs3A_419 = math.absf %sub3A_418 : vector<512x256xf32>
      %add3A_420 = arith.addf %abs3A_413, %abs3A_419 : vector<512x256xf32>
      %slice3A_421 = vector.extract_strided_slice %select_n3A {offsets = [0, 51], sizes = [512, 1], strides = [1, 1]} : vector<512x64xf32> to vector<512x1xf32>
      %slice3A_422 = vector.extract_strided_slice %get3A_21 {offsets = [51, 0], sizes = [1, 256], strides = [1, 1]} : vector<64x256xf32> to vector<1x256xf32>
      %sub3A_423 = vector.broadcast %slice3A_421 : vector<512x1xf32> to vector<512x256xf32>
      %sub3A_424 = vector.broadcast %slice3A_422 : vector<1x256xf32> to vector<512x256xf32>
      %sub3A_425 = arith.subf %sub3A_423, %sub3A_424 : vector<512x256xf32>
      %abs3A_426 = math.absf %sub3A_425 : vector<512x256xf32>
      %add3A_427 = arith.addf %add3A_420, %abs3A_426 : vector<512x256xf32>
      %slice3A_428 = vector.extract_strided_slice %select_n3A {offsets = [0, 59], sizes = [512, 1], strides = [1, 1]} : vector<512x64xf32> to vector<512x1xf32>
      %slice3A_429 = vector.extract_strided_slice %get3A_21 {offsets = [59, 0], sizes = [1, 256], strides = [1, 1]} : vector<64x256xf32> to vector<1x256xf32>
      %sub3A_430 = vector.broadcast %slice3A_428 : vector<512x1xf32> to vector<512x256xf32>
      %sub3A_431 = vector.broadcast %slice3A_429 : vector<1x256xf32> to vector<512x256xf32>
      %sub3A_432 = arith.subf %sub3A_430, %sub3A_431 : vector<512x256xf32>
      %abs3A_433 = math.absf %sub3A_432 : vector<512x256xf32>
      %add3A_434 = arith.addf %add3A_427, %abs3A_433 : vector<512x256xf32>
      %slice3A_435 = vector.extract_strided_slice %select_n3A {offsets = [0, 39], sizes = [512, 1], strides = [1, 1]} : vector<512x64xf32> to vector<512x1xf32>
      %slice3A_436 = vector.extract_strided_slice %get3A_21 {offsets = [39, 0], sizes = [1, 256], strides = [1, 1]} : vector<64x256xf32> to vector<1x256xf32>
      %sub3A_437 = vector.broadcast %slice3A_435 : vector<512x1xf32> to vector<512x256xf32>
      %sub3A_438 = vector.broadcast %slice3A_436 : vector<1x256xf32> to vector<512x256xf32>
      %sub3A_439 = arith.subf %sub3A_437, %sub3A_438 : vector<512x256xf32>
      %abs3A_440 = math.absf %sub3A_439 : vector<512x256xf32>
      %slice3A_441 = vector.extract_strided_slice %select_n3A {offsets = [0, 47], sizes = [512, 1], strides = [1, 1]} : vector<512x64xf32> to vector<512x1xf32>
      %slice3A_442 = vector.extract_strided_slice %get3A_21 {offsets = [47, 0], sizes = [1, 256], strides = [1, 1]} : vector<64x256xf32> to vector<1x256xf32>
      %sub3A_443 = vector.broadcast %slice3A_441 : vector<512x1xf32> to vector<512x256xf32>
      %sub3A_444 = vector.broadcast %slice3A_442 : vector<1x256xf32> to vector<512x256xf32>
      %sub3A_445 = arith.subf %sub3A_443, %sub3A_444 : vector<512x256xf32>
      %abs3A_446 = math.absf %sub3A_445 : vector<512x256xf32>
      %add3A_447 = arith.addf %abs3A_440, %abs3A_446 : vector<512x256xf32>
      %slice3A_448 = vector.extract_strided_slice %select_n3A {offsets = [0, 55], sizes = [512, 1], strides = [1, 1]} : vector<512x64xf32> to vector<512x1xf32>
      %slice3A_449 = vector.extract_strided_slice %get3A_21 {offsets = [55, 0], sizes = [1, 256], strides = [1, 1]} : vector<64x256xf32> to vector<1x256xf32>
      %sub3A_450 = vector.broadcast %slice3A_448 : vector<512x1xf32> to vector<512x256xf32>
      %sub3A_451 = vector.broadcast %slice3A_449 : vector<1x256xf32> to vector<512x256xf32>
      %sub3A_452 = arith.subf %sub3A_450, %sub3A_451 : vector<512x256xf32>
      %abs3A_453 = math.absf %sub3A_452 : vector<512x256xf32>
      %add3A_454 = arith.addf %add3A_447, %abs3A_453 : vector<512x256xf32>
      %slice3A_455 = vector.extract_strided_slice %select_n3A {offsets = [0, 63], sizes = [512, 1], strides = [1, 1]} : vector<512x64xf32> to vector<512x1xf32>
      %slice3A_456 = vector.extract_strided_slice %get3A_21 {offsets = [63, 0], sizes = [1, 256], strides = [1, 1]} : vector<64x256xf32> to vector<1x256xf32>
      %sub3A_457 = vector.broadcast %slice3A_455 : vector<512x1xf32> to vector<512x256xf32>
      %sub3A_458 = vector.broadcast %slice3A_456 : vector<1x256xf32> to vector<512x256xf32>
      %sub3A_459 = arith.subf %sub3A_457, %sub3A_458 : vector<512x256xf32>
      %abs3A_460 = math.absf %sub3A_459 : vector<512x256xf32>
      %add3A_461 = arith.addf %add3A_454, %abs3A_460 : vector<512x256xf32>
      %add3A_462 = arith.addf %add3A_434, %add3A_461 : vector<512x256xf32>
      %add3A_463 = arith.addf %add3A_407, %add3A_462 : vector<512x256xf32>
      %add3A_464 = arith.addf %add3A_352, %add3A_463 : vector<512x256xf32>
      %add3A_465 = arith.addf %add3A_241, %add3A_464 : vector<512x256xf32>
      %reduce_min3A = arith.constant dense<0x7F800000> : vector<512xf32>
      %reduce_min3A_466 = vector.multi_reduction <minimumf>, %add3A_465, %reduce_min3A [1] : vector<512x256xf32> to vector<512xf32>
      %broadcast_in_dim3A_467 = vector.shape_cast %reduce_min3A_466 : vector<512xf32> to vector<512x1xf32>
      %eq3A = vector.broadcast %broadcast_in_dim3A_467 : vector<512x1xf32> to vector<512x256xf32>
      %eq3A_468 = arith.cmpf oeq, %add3A_465, %eq3A : vector<512x256xf32>
      %add3A_469 = arith.constant 0 : i32
      %add3A_470 = vector.broadcast %add3A_469 : i32 to vector<512x256xi32>
      %add3A_471 = arith.addi %iota3A_18, %add3A_470 : vector<512x256xi32>
      %jit3A_472 = arith.constant 512 : i32
      %broadcast_in_dim3A_473 = vector.broadcast %jit3A_472 : i32 to vector<512x256xi32>
      %select_n3A_474 = arith.select %eq3A_468, %add3A_471, %broadcast_in_dim3A_473 : vector<512x256xi1>, vector<512x256xi32>
      %reduce_min3A_475 = arith.constant dense<2147483647> : vector<512xi32>
      %reduce_min3A_476 = vector.multi_reduction <minsi>, %select_n3A_474, %reduce_min3A_475 [1] : vector<512x256xi32> to vector<512xi32>
      %broadcast_in_dim3A_477 = vector.shape_cast %reduce_min3A_476 : vector<512xi32> to vector<512x1xi32>
      %get3A_478 = arith.constant 0 : index
      %get3A_479 = arith.constant 256 : index
      %get3A_480 = vector.load %arg4[%get3A_478, %get3A_479] : memref<64x512xf32, #tpu.memory_space<vmem>>, vector<64x256xf32>
      %slice3A_481 = vector.extract_strided_slice %select_n3A {offsets = [0, 0], sizes = [512, 1], strides = [1, 1]} : vector<512x64xf32> to vector<512x1xf32>
      %slice3A_482 = vector.extract_strided_slice %get3A_480 {offsets = [0, 0], sizes = [1, 256], strides = [1, 1]} : vector<64x256xf32> to vector<1x256xf32>
      %sub3A_483 = vector.broadcast %slice3A_481 : vector<512x1xf32> to vector<512x256xf32>
      %sub3A_484 = vector.broadcast %slice3A_482 : vector<1x256xf32> to vector<512x256xf32>
      %sub3A_485 = arith.subf %sub3A_483, %sub3A_484 : vector<512x256xf32>
      %abs3A_486 = math.absf %sub3A_485 : vector<512x256xf32>
      %slice3A_487 = vector.extract_strided_slice %select_n3A {offsets = [0, 8], sizes = [512, 1], strides = [1, 1]} : vector<512x64xf32> to vector<512x1xf32>
      %slice3A_488 = vector.extract_strided_slice %get3A_480 {offsets = [8, 0], sizes = [1, 256], strides = [1, 1]} : vector<64x256xf32> to vector<1x256xf32>
      %sub3A_489 = vector.broadcast %slice3A_487 : vector<512x1xf32> to vector<512x256xf32>
      %sub3A_490 = vector.broadcast %slice3A_488 : vector<1x256xf32> to vector<512x256xf32>
      %sub3A_491 = arith.subf %sub3A_489, %sub3A_490 : vector<512x256xf32>
      %abs3A_492 = math.absf %sub3A_491 : vector<512x256xf32>
      %add3A_493 = arith.addf %abs3A_486, %abs3A_492 : vector<512x256xf32>
      %slice3A_494 = vector.extract_strided_slice %select_n3A {offsets = [0, 16], sizes = [512, 1], strides = [1, 1]} : vector<512x64xf32> to vector<512x1xf32>
      %slice3A_495 = vector.extract_strided_slice %get3A_480 {offsets = [16, 0], sizes = [1, 256], strides = [1, 1]} : vector<64x256xf32> to vector<1x256xf32>
      %sub3A_496 = vector.broadcast %slice3A_494 : vector<512x1xf32> to vector<512x256xf32>
      %sub3A_497 = vector.broadcast %slice3A_495 : vector<1x256xf32> to vector<512x256xf32>
      %sub3A_498 = arith.subf %sub3A_496, %sub3A_497 : vector<512x256xf32>
      %abs3A_499 = math.absf %sub3A_498 : vector<512x256xf32>
      %add3A_500 = arith.addf %add3A_493, %abs3A_499 : vector<512x256xf32>
      %slice3A_501 = vector.extract_strided_slice %select_n3A {offsets = [0, 24], sizes = [512, 1], strides = [1, 1]} : vector<512x64xf32> to vector<512x1xf32>
      %slice3A_502 = vector.extract_strided_slice %get3A_480 {offsets = [24, 0], sizes = [1, 256], strides = [1, 1]} : vector<64x256xf32> to vector<1x256xf32>
      %sub3A_503 = vector.broadcast %slice3A_501 : vector<512x1xf32> to vector<512x256xf32>
      %sub3A_504 = vector.broadcast %slice3A_502 : vector<1x256xf32> to vector<512x256xf32>
      %sub3A_505 = arith.subf %sub3A_503, %sub3A_504 : vector<512x256xf32>
      %abs3A_506 = math.absf %sub3A_505 : vector<512x256xf32>
      %add3A_507 = arith.addf %add3A_500, %abs3A_506 : vector<512x256xf32>
      %slice3A_508 = vector.extract_strided_slice %select_n3A {offsets = [0, 4], sizes = [512, 1], strides = [1, 1]} : vector<512x64xf32> to vector<512x1xf32>
      %slice3A_509 = vector.extract_strided_slice %get3A_480 {offsets = [4, 0], sizes = [1, 256], strides = [1, 1]} : vector<64x256xf32> to vector<1x256xf32>
      %sub3A_510 = vector.broadcast %slice3A_508 : vector<512x1xf32> to vector<512x256xf32>
      %sub3A_511 = vector.broadcast %slice3A_509 : vector<1x256xf32> to vector<512x256xf32>
      %sub3A_512 = arith.subf %sub3A_510, %sub3A_511 : vector<512x256xf32>
      %abs3A_513 = math.absf %sub3A_512 : vector<512x256xf32>
      %slice3A_514 = vector.extract_strided_slice %select_n3A {offsets = [0, 12], sizes = [512, 1], strides = [1, 1]} : vector<512x64xf32> to vector<512x1xf32>
      %slice3A_515 = vector.extract_strided_slice %get3A_480 {offsets = [12, 0], sizes = [1, 256], strides = [1, 1]} : vector<64x256xf32> to vector<1x256xf32>
      %sub3A_516 = vector.broadcast %slice3A_514 : vector<512x1xf32> to vector<512x256xf32>
      %sub3A_517 = vector.broadcast %slice3A_515 : vector<1x256xf32> to vector<512x256xf32>
      %sub3A_518 = arith.subf %sub3A_516, %sub3A_517 : vector<512x256xf32>
      %abs3A_519 = math.absf %sub3A_518 : vector<512x256xf32>
      %add3A_520 = arith.addf %abs3A_513, %abs3A_519 : vector<512x256xf32>
      %slice3A_521 = vector.extract_strided_slice %select_n3A {offsets = [0, 20], sizes = [512, 1], strides = [1, 1]} : vector<512x64xf32> to vector<512x1xf32>
      %slice3A_522 = vector.extract_strided_slice %get3A_480 {offsets = [20, 0], sizes = [1, 256], strides = [1, 1]} : vector<64x256xf32> to vector<1x256xf32>
      %sub3A_523 = vector.broadcast %slice3A_521 : vector<512x1xf32> to vector<512x256xf32>
      %sub3A_524 = vector.broadcast %slice3A_522 : vector<1x256xf32> to vector<512x256xf32>
      %sub3A_525 = arith.subf %sub3A_523, %sub3A_524 : vector<512x256xf32>
      %abs3A_526 = math.absf %sub3A_525 : vector<512x256xf32>
      %add3A_527 = arith.addf %add3A_520, %abs3A_526 : vector<512x256xf32>
      %slice3A_528 = vector.extract_strided_slice %select_n3A {offsets = [0, 28], sizes = [512, 1], strides = [1, 1]} : vector<512x64xf32> to vector<512x1xf32>
      %slice3A_529 = vector.extract_strided_slice %get3A_480 {offsets = [28, 0], sizes = [1, 256], strides = [1, 1]} : vector<64x256xf32> to vector<1x256xf32>
      %sub3A_530 = vector.broadcast %slice3A_528 : vector<512x1xf32> to vector<512x256xf32>
      %sub3A_531 = vector.broadcast %slice3A_529 : vector<1x256xf32> to vector<512x256xf32>
      %sub3A_532 = arith.subf %sub3A_530, %sub3A_531 : vector<512x256xf32>
      %abs3A_533 = math.absf %sub3A_532 : vector<512x256xf32>
      %add3A_534 = arith.addf %add3A_527, %abs3A_533 : vector<512x256xf32>
      %add3A_535 = arith.addf %add3A_507, %add3A_534 : vector<512x256xf32>
      %slice3A_536 = vector.extract_strided_slice %select_n3A {offsets = [0, 2], sizes = [512, 1], strides = [1, 1]} : vector<512x64xf32> to vector<512x1xf32>
      %slice3A_537 = vector.extract_strided_slice %get3A_480 {offsets = [2, 0], sizes = [1, 256], strides = [1, 1]} : vector<64x256xf32> to vector<1x256xf32>
      %sub3A_538 = vector.broadcast %slice3A_536 : vector<512x1xf32> to vector<512x256xf32>
      %sub3A_539 = vector.broadcast %slice3A_537 : vector<1x256xf32> to vector<512x256xf32>
      %sub3A_540 = arith.subf %sub3A_538, %sub3A_539 : vector<512x256xf32>
      %abs3A_541 = math.absf %sub3A_540 : vector<512x256xf32>
      %slice3A_542 = vector.extract_strided_slice %select_n3A {offsets = [0, 10], sizes = [512, 1], strides = [1, 1]} : vector<512x64xf32> to vector<512x1xf32>
      %slice3A_543 = vector.extract_strided_slice %get3A_480 {offsets = [10, 0], sizes = [1, 256], strides = [1, 1]} : vector<64x256xf32> to vector<1x256xf32>
      %sub3A_544 = vector.broadcast %slice3A_542 : vector<512x1xf32> to vector<512x256xf32>
      %sub3A_545 = vector.broadcast %slice3A_543 : vector<1x256xf32> to vector<512x256xf32>
      %sub3A_546 = arith.subf %sub3A_544, %sub3A_545 : vector<512x256xf32>
      %abs3A_547 = math.absf %sub3A_546 : vector<512x256xf32>
      %add3A_548 = arith.addf %abs3A_541, %abs3A_547 : vector<512x256xf32>
      %slice3A_549 = vector.extract_strided_slice %select_n3A {offsets = [0, 18], sizes = [512, 1], strides = [1, 1]} : vector<512x64xf32> to vector<512x1xf32>
      %slice3A_550 = vector.extract_strided_slice %get3A_480 {offsets = [18, 0], sizes = [1, 256], strides = [1, 1]} : vector<64x256xf32> to vector<1x256xf32>
      %sub3A_551 = vector.broadcast %slice3A_549 : vector<512x1xf32> to vector<512x256xf32>
      %sub3A_552 = vector.broadcast %slice3A_550 : vector<1x256xf32> to vector<512x256xf32>
      %sub3A_553 = arith.subf %sub3A_551, %sub3A_552 : vector<512x256xf32>
      %abs3A_554 = math.absf %sub3A_553 : vector<512x256xf32>
      %add3A_555 = arith.addf %add3A_548, %abs3A_554 : vector<512x256xf32>
      %slice3A_556 = vector.extract_strided_slice %select_n3A {offsets = [0, 26], sizes = [512, 1], strides = [1, 1]} : vector<512x64xf32> to vector<512x1xf32>
      %slice3A_557 = vector.extract_strided_slice %get3A_480 {offsets = [26, 0], sizes = [1, 256], strides = [1, 1]} : vector<64x256xf32> to vector<1x256xf32>
      %sub3A_558 = vector.broadcast %slice3A_556 : vector<512x1xf32> to vector<512x256xf32>
      %sub3A_559 = vector.broadcast %slice3A_557 : vector<1x256xf32> to vector<512x256xf32>
      %sub3A_560 = arith.subf %sub3A_558, %sub3A_559 : vector<512x256xf32>
      %abs3A_561 = math.absf %sub3A_560 : vector<512x256xf32>
      %add3A_562 = arith.addf %add3A_555, %abs3A_561 : vector<512x256xf32>
      %slice3A_563 = vector.extract_strided_slice %select_n3A {offsets = [0, 6], sizes = [512, 1], strides = [1, 1]} : vector<512x64xf32> to vector<512x1xf32>
      %slice3A_564 = vector.extract_strided_slice %get3A_480 {offsets = [6, 0], sizes = [1, 256], strides = [1, 1]} : vector<64x256xf32> to vector<1x256xf32>
      %sub3A_565 = vector.broadcast %slice3A_563 : vector<512x1xf32> to vector<512x256xf32>
      %sub3A_566 = vector.broadcast %slice3A_564 : vector<1x256xf32> to vector<512x256xf32>
      %sub3A_567 = arith.subf %sub3A_565, %sub3A_566 : vector<512x256xf32>
      %abs3A_568 = math.absf %sub3A_567 : vector<512x256xf32>
      %slice3A_569 = vector.extract_strided_slice %select_n3A {offsets = [0, 14], sizes = [512, 1], strides = [1, 1]} : vector<512x64xf32> to vector<512x1xf32>
      %slice3A_570 = vector.extract_strided_slice %get3A_480 {offsets = [14, 0], sizes = [1, 256], strides = [1, 1]} : vector<64x256xf32> to vector<1x256xf32>
      %sub3A_571 = vector.broadcast %slice3A_569 : vector<512x1xf32> to vector<512x256xf32>
      %sub3A_572 = vector.broadcast %slice3A_570 : vector<1x256xf32> to vector<512x256xf32>
      %sub3A_573 = arith.subf %sub3A_571, %sub3A_572 : vector<512x256xf32>
      %abs3A_574 = math.absf %sub3A_573 : vector<512x256xf32>
      %add3A_575 = arith.addf %abs3A_568, %abs3A_574 : vector<512x256xf32>
      %slice3A_576 = vector.extract_strided_slice %select_n3A {offsets = [0, 22], sizes = [512, 1], strides = [1, 1]} : vector<512x64xf32> to vector<512x1xf32>
      %slice3A_577 = vector.extract_strided_slice %get3A_480 {offsets = [22, 0], sizes = [1, 256], strides = [1, 1]} : vector<64x256xf32> to vector<1x256xf32>
      %sub3A_578 = vector.broadcast %slice3A_576 : vector<512x1xf32> to vector<512x256xf32>
      %sub3A_579 = vector.broadcast %slice3A_577 : vector<1x256xf32> to vector<512x256xf32>
      %sub3A_580 = arith.subf %sub3A_578, %sub3A_579 : vector<512x256xf32>
      %abs3A_581 = math.absf %sub3A_580 : vector<512x256xf32>
      %add3A_582 = arith.addf %add3A_575, %abs3A_581 : vector<512x256xf32>
      %slice3A_583 = vector.extract_strided_slice %select_n3A {offsets = [0, 30], sizes = [512, 1], strides = [1, 1]} : vector<512x64xf32> to vector<512x1xf32>
      %slice3A_584 = vector.extract_strided_slice %get3A_480 {offsets = [30, 0], sizes = [1, 256], strides = [1, 1]} : vector<64x256xf32> to vector<1x256xf32>
      %sub3A_585 = vector.broadcast %slice3A_583 : vector<512x1xf32> to vector<512x256xf32>
      %sub3A_586 = vector.broadcast %slice3A_584 : vector<1x256xf32> to vector<512x256xf32>
      %sub3A_587 = arith.subf %sub3A_585, %sub3A_586 : vector<512x256xf32>
      %abs3A_588 = math.absf %sub3A_587 : vector<512x256xf32>
      %add3A_589 = arith.addf %add3A_582, %abs3A_588 : vector<512x256xf32>
      %add3A_590 = arith.addf %add3A_562, %add3A_589 : vector<512x256xf32>
      %add3A_591 = arith.addf %add3A_535, %add3A_590 : vector<512x256xf32>
      %slice3A_592 = vector.extract_strided_slice %select_n3A {offsets = [0, 1], sizes = [512, 1], strides = [1, 1]} : vector<512x64xf32> to vector<512x1xf32>
      %slice3A_593 = vector.extract_strided_slice %get3A_480 {offsets = [1, 0], sizes = [1, 256], strides = [1, 1]} : vector<64x256xf32> to vector<1x256xf32>
      %sub3A_594 = vector.broadcast %slice3A_592 : vector<512x1xf32> to vector<512x256xf32>
      %sub3A_595 = vector.broadcast %slice3A_593 : vector<1x256xf32> to vector<512x256xf32>
      %sub3A_596 = arith.subf %sub3A_594, %sub3A_595 : vector<512x256xf32>
      %abs3A_597 = math.absf %sub3A_596 : vector<512x256xf32>
      %slice3A_598 = vector.extract_strided_slice %select_n3A {offsets = [0, 9], sizes = [512, 1], strides = [1, 1]} : vector<512x64xf32> to vector<512x1xf32>
      %slice3A_599 = vector.extract_strided_slice %get3A_480 {offsets = [9, 0], sizes = [1, 256], strides = [1, 1]} : vector<64x256xf32> to vector<1x256xf32>
      %sub3A_600 = vector.broadcast %slice3A_598 : vector<512x1xf32> to vector<512x256xf32>
      %sub3A_601 = vector.broadcast %slice3A_599 : vector<1x256xf32> to vector<512x256xf32>
      %sub3A_602 = arith.subf %sub3A_600, %sub3A_601 : vector<512x256xf32>
      %abs3A_603 = math.absf %sub3A_602 : vector<512x256xf32>
      %add3A_604 = arith.addf %abs3A_597, %abs3A_603 : vector<512x256xf32>
      %slice3A_605 = vector.extract_strided_slice %select_n3A {offsets = [0, 17], sizes = [512, 1], strides = [1, 1]} : vector<512x64xf32> to vector<512x1xf32>
      %slice3A_606 = vector.extract_strided_slice %get3A_480 {offsets = [17, 0], sizes = [1, 256], strides = [1, 1]} : vector<64x256xf32> to vector<1x256xf32>
      %sub3A_607 = vector.broadcast %slice3A_605 : vector<512x1xf32> to vector<512x256xf32>
      %sub3A_608 = vector.broadcast %slice3A_606 : vector<1x256xf32> to vector<512x256xf32>
      %sub3A_609 = arith.subf %sub3A_607, %sub3A_608 : vector<512x256xf32>
      %abs3A_610 = math.absf %sub3A_609 : vector<512x256xf32>
      %add3A_611 = arith.addf %add3A_604, %abs3A_610 : vector<512x256xf32>
      %slice3A_612 = vector.extract_strided_slice %select_n3A {offsets = [0, 25], sizes = [512, 1], strides = [1, 1]} : vector<512x64xf32> to vector<512x1xf32>
      %slice3A_613 = vector.extract_strided_slice %get3A_480 {offsets = [25, 0], sizes = [1, 256], strides = [1, 1]} : vector<64x256xf32> to vector<1x256xf32>
      %sub3A_614 = vector.broadcast %slice3A_612 : vector<512x1xf32> to vector<512x256xf32>
      %sub3A_615 = vector.broadcast %slice3A_613 : vector<1x256xf32> to vector<512x256xf32>
      %sub3A_616 = arith.subf %sub3A_614, %sub3A_615 : vector<512x256xf32>
      %abs3A_617 = math.absf %sub3A_616 : vector<512x256xf32>
      %add3A_618 = arith.addf %add3A_611, %abs3A_617 : vector<512x256xf32>
      %slice3A_619 = vector.extract_strided_slice %select_n3A {offsets = [0, 5], sizes = [512, 1], strides = [1, 1]} : vector<512x64xf32> to vector<512x1xf32>
      %slice3A_620 = vector.extract_strided_slice %get3A_480 {offsets = [5, 0], sizes = [1, 256], strides = [1, 1]} : vector<64x256xf32> to vector<1x256xf32>
      %sub3A_621 = vector.broadcast %slice3A_619 : vector<512x1xf32> to vector<512x256xf32>
      %sub3A_622 = vector.broadcast %slice3A_620 : vector<1x256xf32> to vector<512x256xf32>
      %sub3A_623 = arith.subf %sub3A_621, %sub3A_622 : vector<512x256xf32>
      %abs3A_624 = math.absf %sub3A_623 : vector<512x256xf32>
      %slice3A_625 = vector.extract_strided_slice %select_n3A {offsets = [0, 13], sizes = [512, 1], strides = [1, 1]} : vector<512x64xf32> to vector<512x1xf32>
      %slice3A_626 = vector.extract_strided_slice %get3A_480 {offsets = [13, 0], sizes = [1, 256], strides = [1, 1]} : vector<64x256xf32> to vector<1x256xf32>
      %sub3A_627 = vector.broadcast %slice3A_625 : vector<512x1xf32> to vector<512x256xf32>
      %sub3A_628 = vector.broadcast %slice3A_626 : vector<1x256xf32> to vector<512x256xf32>
      %sub3A_629 = arith.subf %sub3A_627, %sub3A_628 : vector<512x256xf32>
      %abs3A_630 = math.absf %sub3A_629 : vector<512x256xf32>
      %add3A_631 = arith.addf %abs3A_624, %abs3A_630 : vector<512x256xf32>
      %slice3A_632 = vector.extract_strided_slice %select_n3A {offsets = [0, 21], sizes = [512, 1], strides = [1, 1]} : vector<512x64xf32> to vector<512x1xf32>
      %slice3A_633 = vector.extract_strided_slice %get3A_480 {offsets = [21, 0], sizes = [1, 256], strides = [1, 1]} : vector<64x256xf32> to vector<1x256xf32>
      %sub3A_634 = vector.broadcast %slice3A_632 : vector<512x1xf32> to vector<512x256xf32>
      %sub3A_635 = vector.broadcast %slice3A_633 : vector<1x256xf32> to vector<512x256xf32>
      %sub3A_636 = arith.subf %sub3A_634, %sub3A_635 : vector<512x256xf32>
      %abs3A_637 = math.absf %sub3A_636 : vector<512x256xf32>
      %add3A_638 = arith.addf %add3A_631, %abs3A_637 : vector<512x256xf32>
      %slice3A_639 = vector.extract_strided_slice %select_n3A {offsets = [0, 29], sizes = [512, 1], strides = [1, 1]} : vector<512x64xf32> to vector<512x1xf32>
      %slice3A_640 = vector.extract_strided_slice %get3A_480 {offsets = [29, 0], sizes = [1, 256], strides = [1, 1]} : vector<64x256xf32> to vector<1x256xf32>
      %sub3A_641 = vector.broadcast %slice3A_639 : vector<512x1xf32> to vector<512x256xf32>
      %sub3A_642 = vector.broadcast %slice3A_640 : vector<1x256xf32> to vector<512x256xf32>
      %sub3A_643 = arith.subf %sub3A_641, %sub3A_642 : vector<512x256xf32>
      %abs3A_644 = math.absf %sub3A_643 : vector<512x256xf32>
      %add3A_645 = arith.addf %add3A_638, %abs3A_644 : vector<512x256xf32>
      %add3A_646 = arith.addf %add3A_618, %add3A_645 : vector<512x256xf32>
      %slice3A_647 = vector.extract_strided_slice %select_n3A {offsets = [0, 3], sizes = [512, 1], strides = [1, 1]} : vector<512x64xf32> to vector<512x1xf32>
      %slice3A_648 = vector.extract_strided_slice %get3A_480 {offsets = [3, 0], sizes = [1, 256], strides = [1, 1]} : vector<64x256xf32> to vector<1x256xf32>
      %sub3A_649 = vector.broadcast %slice3A_647 : vector<512x1xf32> to vector<512x256xf32>
      %sub3A_650 = vector.broadcast %slice3A_648 : vector<1x256xf32> to vector<512x256xf32>
      %sub3A_651 = arith.subf %sub3A_649, %sub3A_650 : vector<512x256xf32>
      %abs3A_652 = math.absf %sub3A_651 : vector<512x256xf32>
      %slice3A_653 = vector.extract_strided_slice %select_n3A {offsets = [0, 11], sizes = [512, 1], strides = [1, 1]} : vector<512x64xf32> to vector<512x1xf32>
      %slice3A_654 = vector.extract_strided_slice %get3A_480 {offsets = [11, 0], sizes = [1, 256], strides = [1, 1]} : vector<64x256xf32> to vector<1x256xf32>
      %sub3A_655 = vector.broadcast %slice3A_653 : vector<512x1xf32> to vector<512x256xf32>
      %sub3A_656 = vector.broadcast %slice3A_654 : vector<1x256xf32> to vector<512x256xf32>
      %sub3A_657 = arith.subf %sub3A_655, %sub3A_656 : vector<512x256xf32>
      %abs3A_658 = math.absf %sub3A_657 : vector<512x256xf32>
      %add3A_659 = arith.addf %abs3A_652, %abs3A_658 : vector<512x256xf32>
      %slice3A_660 = vector.extract_strided_slice %select_n3A {offsets = [0, 19], sizes = [512, 1], strides = [1, 1]} : vector<512x64xf32> to vector<512x1xf32>
      %slice3A_661 = vector.extract_strided_slice %get3A_480 {offsets = [19, 0], sizes = [1, 256], strides = [1, 1]} : vector<64x256xf32> to vector<1x256xf32>
      %sub3A_662 = vector.broadcast %slice3A_660 : vector<512x1xf32> to vector<512x256xf32>
      %sub3A_663 = vector.broadcast %slice3A_661 : vector<1x256xf32> to vector<512x256xf32>
      %sub3A_664 = arith.subf %sub3A_662, %sub3A_663 : vector<512x256xf32>
      %abs3A_665 = math.absf %sub3A_664 : vector<512x256xf32>
      %add3A_666 = arith.addf %add3A_659, %abs3A_665 : vector<512x256xf32>
      %slice3A_667 = vector.extract_strided_slice %select_n3A {offsets = [0, 27], sizes = [512, 1], strides = [1, 1]} : vector<512x64xf32> to vector<512x1xf32>
      %slice3A_668 = vector.extract_strided_slice %get3A_480 {offsets = [27, 0], sizes = [1, 256], strides = [1, 1]} : vector<64x256xf32> to vector<1x256xf32>
      %sub3A_669 = vector.broadcast %slice3A_667 : vector<512x1xf32> to vector<512x256xf32>
      %sub3A_670 = vector.broadcast %slice3A_668 : vector<1x256xf32> to vector<512x256xf32>
      %sub3A_671 = arith.subf %sub3A_669, %sub3A_670 : vector<512x256xf32>
      %abs3A_672 = math.absf %sub3A_671 : vector<512x256xf32>
      %add3A_673 = arith.addf %add3A_666, %abs3A_672 : vector<512x256xf32>
      %slice3A_674 = vector.extract_strided_slice %select_n3A {offsets = [0, 7], sizes = [512, 1], strides = [1, 1]} : vector<512x64xf32> to vector<512x1xf32>
      %slice3A_675 = vector.extract_strided_slice %get3A_480 {offsets = [7, 0], sizes = [1, 256], strides = [1, 1]} : vector<64x256xf32> to vector<1x256xf32>
      %sub3A_676 = vector.broadcast %slice3A_674 : vector<512x1xf32> to vector<512x256xf32>
      %sub3A_677 = vector.broadcast %slice3A_675 : vector<1x256xf32> to vector<512x256xf32>
      %sub3A_678 = arith.subf %sub3A_676, %sub3A_677 : vector<512x256xf32>
      %abs3A_679 = math.absf %sub3A_678 : vector<512x256xf32>
      %slice3A_680 = vector.extract_strided_slice %select_n3A {offsets = [0, 15], sizes = [512, 1], strides = [1, 1]} : vector<512x64xf32> to vector<512x1xf32>
      %slice3A_681 = vector.extract_strided_slice %get3A_480 {offsets = [15, 0], sizes = [1, 256], strides = [1, 1]} : vector<64x256xf32> to vector<1x256xf32>
      %sub3A_682 = vector.broadcast %slice3A_680 : vector<512x1xf32> to vector<512x256xf32>
      %sub3A_683 = vector.broadcast %slice3A_681 : vector<1x256xf32> to vector<512x256xf32>
      %sub3A_684 = arith.subf %sub3A_682, %sub3A_683 : vector<512x256xf32>
      %abs3A_685 = math.absf %sub3A_684 : vector<512x256xf32>
      %add3A_686 = arith.addf %abs3A_679, %abs3A_685 : vector<512x256xf32>
      %slice3A_687 = vector.extract_strided_slice %select_n3A {offsets = [0, 23], sizes = [512, 1], strides = [1, 1]} : vector<512x64xf32> to vector<512x1xf32>
      %slice3A_688 = vector.extract_strided_slice %get3A_480 {offsets = [23, 0], sizes = [1, 256], strides = [1, 1]} : vector<64x256xf32> to vector<1x256xf32>
      %sub3A_689 = vector.broadcast %slice3A_687 : vector<512x1xf32> to vector<512x256xf32>
      %sub3A_690 = vector.broadcast %slice3A_688 : vector<1x256xf32> to vector<512x256xf32>
      %sub3A_691 = arith.subf %sub3A_689, %sub3A_690 : vector<512x256xf32>
      %abs3A_692 = math.absf %sub3A_691 : vector<512x256xf32>
      %add3A_693 = arith.addf %add3A_686, %abs3A_692 : vector<512x256xf32>
      %slice3A_694 = vector.extract_strided_slice %select_n3A {offsets = [0, 31], sizes = [512, 1], strides = [1, 1]} : vector<512x64xf32> to vector<512x1xf32>
      %slice3A_695 = vector.extract_strided_slice %get3A_480 {offsets = [31, 0], sizes = [1, 256], strides = [1, 1]} : vector<64x256xf32> to vector<1x256xf32>
      %sub3A_696 = vector.broadcast %slice3A_694 : vector<512x1xf32> to vector<512x256xf32>
      %sub3A_697 = vector.broadcast %slice3A_695 : vector<1x256xf32> to vector<512x256xf32>
      %sub3A_698 = arith.subf %sub3A_696, %sub3A_697 : vector<512x256xf32>
      %abs3A_699 = math.absf %sub3A_698 : vector<512x256xf32>
      %add3A_700 = arith.addf %add3A_693, %abs3A_699 : vector<512x256xf32>
      %add3A_701 = arith.addf %add3A_673, %add3A_700 : vector<512x256xf32>
      %add3A_702 = arith.addf %add3A_646, %add3A_701 : vector<512x256xf32>
      %add3A_703 = arith.addf %add3A_591, %add3A_702 : vector<512x256xf32>
      %slice3A_704 = vector.extract_strided_slice %select_n3A {offsets = [0, 32], sizes = [512, 1], strides = [1, 1]} : vector<512x64xf32> to vector<512x1xf32>
      %slice3A_705 = vector.extract_strided_slice %get3A_480 {offsets = [32, 0], sizes = [1, 256], strides = [1, 1]} : vector<64x256xf32> to vector<1x256xf32>
      %sub3A_706 = vector.broadcast %slice3A_704 : vector<512x1xf32> to vector<512x256xf32>
      %sub3A_707 = vector.broadcast %slice3A_705 : vector<1x256xf32> to vector<512x256xf32>
      %sub3A_708 = arith.subf %sub3A_706, %sub3A_707 : vector<512x256xf32>
      %abs3A_709 = math.absf %sub3A_708 : vector<512x256xf32>
      %slice3A_710 = vector.extract_strided_slice %select_n3A {offsets = [0, 40], sizes = [512, 1], strides = [1, 1]} : vector<512x64xf32> to vector<512x1xf32>
      %slice3A_711 = vector.extract_strided_slice %get3A_480 {offsets = [40, 0], sizes = [1, 256], strides = [1, 1]} : vector<64x256xf32> to vector<1x256xf32>
      %sub3A_712 = vector.broadcast %slice3A_710 : vector<512x1xf32> to vector<512x256xf32>
      %sub3A_713 = vector.broadcast %slice3A_711 : vector<1x256xf32> to vector<512x256xf32>
      %sub3A_714 = arith.subf %sub3A_712, %sub3A_713 : vector<512x256xf32>
      %abs3A_715 = math.absf %sub3A_714 : vector<512x256xf32>
      %add3A_716 = arith.addf %abs3A_709, %abs3A_715 : vector<512x256xf32>
      %slice3A_717 = vector.extract_strided_slice %select_n3A {offsets = [0, 48], sizes = [512, 1], strides = [1, 1]} : vector<512x64xf32> to vector<512x1xf32>
      %slice3A_718 = vector.extract_strided_slice %get3A_480 {offsets = [48, 0], sizes = [1, 256], strides = [1, 1]} : vector<64x256xf32> to vector<1x256xf32>
      %sub3A_719 = vector.broadcast %slice3A_717 : vector<512x1xf32> to vector<512x256xf32>
      %sub3A_720 = vector.broadcast %slice3A_718 : vector<1x256xf32> to vector<512x256xf32>
      %sub3A_721 = arith.subf %sub3A_719, %sub3A_720 : vector<512x256xf32>
      %abs3A_722 = math.absf %sub3A_721 : vector<512x256xf32>
      %add3A_723 = arith.addf %add3A_716, %abs3A_722 : vector<512x256xf32>
      %slice3A_724 = vector.extract_strided_slice %select_n3A {offsets = [0, 56], sizes = [512, 1], strides = [1, 1]} : vector<512x64xf32> to vector<512x1xf32>
      %slice3A_725 = vector.extract_strided_slice %get3A_480 {offsets = [56, 0], sizes = [1, 256], strides = [1, 1]} : vector<64x256xf32> to vector<1x256xf32>
      %sub3A_726 = vector.broadcast %slice3A_724 : vector<512x1xf32> to vector<512x256xf32>
      %sub3A_727 = vector.broadcast %slice3A_725 : vector<1x256xf32> to vector<512x256xf32>
      %sub3A_728 = arith.subf %sub3A_726, %sub3A_727 : vector<512x256xf32>
      %abs3A_729 = math.absf %sub3A_728 : vector<512x256xf32>
      %add3A_730 = arith.addf %add3A_723, %abs3A_729 : vector<512x256xf32>
      %slice3A_731 = vector.extract_strided_slice %select_n3A {offsets = [0, 36], sizes = [512, 1], strides = [1, 1]} : vector<512x64xf32> to vector<512x1xf32>
      %slice3A_732 = vector.extract_strided_slice %get3A_480 {offsets = [36, 0], sizes = [1, 256], strides = [1, 1]} : vector<64x256xf32> to vector<1x256xf32>
      %sub3A_733 = vector.broadcast %slice3A_731 : vector<512x1xf32> to vector<512x256xf32>
      %sub3A_734 = vector.broadcast %slice3A_732 : vector<1x256xf32> to vector<512x256xf32>
      %sub3A_735 = arith.subf %sub3A_733, %sub3A_734 : vector<512x256xf32>
      %abs3A_736 = math.absf %sub3A_735 : vector<512x256xf32>
      %slice3A_737 = vector.extract_strided_slice %select_n3A {offsets = [0, 44], sizes = [512, 1], strides = [1, 1]} : vector<512x64xf32> to vector<512x1xf32>
      %slice3A_738 = vector.extract_strided_slice %get3A_480 {offsets = [44, 0], sizes = [1, 256], strides = [1, 1]} : vector<64x256xf32> to vector<1x256xf32>
      %sub3A_739 = vector.broadcast %slice3A_737 : vector<512x1xf32> to vector<512x256xf32>
      %sub3A_740 = vector.broadcast %slice3A_738 : vector<1x256xf32> to vector<512x256xf32>
      %sub3A_741 = arith.subf %sub3A_739, %sub3A_740 : vector<512x256xf32>
      %abs3A_742 = math.absf %sub3A_741 : vector<512x256xf32>
      %add3A_743 = arith.addf %abs3A_736, %abs3A_742 : vector<512x256xf32>
      %slice3A_744 = vector.extract_strided_slice %select_n3A {offsets = [0, 52], sizes = [512, 1], strides = [1, 1]} : vector<512x64xf32> to vector<512x1xf32>
      %slice3A_745 = vector.extract_strided_slice %get3A_480 {offsets = [52, 0], sizes = [1, 256], strides = [1, 1]} : vector<64x256xf32> to vector<1x256xf32>
      %sub3A_746 = vector.broadcast %slice3A_744 : vector<512x1xf32> to vector<512x256xf32>
      %sub3A_747 = vector.broadcast %slice3A_745 : vector<1x256xf32> to vector<512x256xf32>
      %sub3A_748 = arith.subf %sub3A_746, %sub3A_747 : vector<512x256xf32>
      %abs3A_749 = math.absf %sub3A_748 : vector<512x256xf32>
      %add3A_750 = arith.addf %add3A_743, %abs3A_749 : vector<512x256xf32>
      %slice3A_751 = vector.extract_strided_slice %select_n3A {offsets = [0, 60], sizes = [512, 1], strides = [1, 1]} : vector<512x64xf32> to vector<512x1xf32>
      %slice3A_752 = vector.extract_strided_slice %get3A_480 {offsets = [60, 0], sizes = [1, 256], strides = [1, 1]} : vector<64x256xf32> to vector<1x256xf32>
      %sub3A_753 = vector.broadcast %slice3A_751 : vector<512x1xf32> to vector<512x256xf32>
      %sub3A_754 = vector.broadcast %slice3A_752 : vector<1x256xf32> to vector<512x256xf32>
      %sub3A_755 = arith.subf %sub3A_753, %sub3A_754 : vector<512x256xf32>
      %abs3A_756 = math.absf %sub3A_755 : vector<512x256xf32>
      %add3A_757 = arith.addf %add3A_750, %abs3A_756 : vector<512x256xf32>
      %add3A_758 = arith.addf %add3A_730, %add3A_757 : vector<512x256xf32>
      %slice3A_759 = vector.extract_strided_slice %select_n3A {offsets = [0, 34], sizes = [512, 1], strides = [1, 1]} : vector<512x64xf32> to vector<512x1xf32>
      %slice3A_760 = vector.extract_strided_slice %get3A_480 {offsets = [34, 0], sizes = [1, 256], strides = [1, 1]} : vector<64x256xf32> to vector<1x256xf32>
      %sub3A_761 = vector.broadcast %slice3A_759 : vector<512x1xf32> to vector<512x256xf32>
      %sub3A_762 = vector.broadcast %slice3A_760 : vector<1x256xf32> to vector<512x256xf32>
      %sub3A_763 = arith.subf %sub3A_761, %sub3A_762 : vector<512x256xf32>
      %abs3A_764 = math.absf %sub3A_763 : vector<512x256xf32>
      %slice3A_765 = vector.extract_strided_slice %select_n3A {offsets = [0, 42], sizes = [512, 1], strides = [1, 1]} : vector<512x64xf32> to vector<512x1xf32>
      %slice3A_766 = vector.extract_strided_slice %get3A_480 {offsets = [42, 0], sizes = [1, 256], strides = [1, 1]} : vector<64x256xf32> to vector<1x256xf32>
      %sub3A_767 = vector.broadcast %slice3A_765 : vector<512x1xf32> to vector<512x256xf32>
      %sub3A_768 = vector.broadcast %slice3A_766 : vector<1x256xf32> to vector<512x256xf32>
      %sub3A_769 = arith.subf %sub3A_767, %sub3A_768 : vector<512x256xf32>
      %abs3A_770 = math.absf %sub3A_769 : vector<512x256xf32>
      %add3A_771 = arith.addf %abs3A_764, %abs3A_770 : vector<512x256xf32>
      %slice3A_772 = vector.extract_strided_slice %select_n3A {offsets = [0, 50], sizes = [512, 1], strides = [1, 1]} : vector<512x64xf32> to vector<512x1xf32>
      %slice3A_773 = vector.extract_strided_slice %get3A_480 {offsets = [50, 0], sizes = [1, 256], strides = [1, 1]} : vector<64x256xf32> to vector<1x256xf32>
      %sub3A_774 = vector.broadcast %slice3A_772 : vector<512x1xf32> to vector<512x256xf32>
      %sub3A_775 = vector.broadcast %slice3A_773 : vector<1x256xf32> to vector<512x256xf32>
      %sub3A_776 = arith.subf %sub3A_774, %sub3A_775 : vector<512x256xf32>
      %abs3A_777 = math.absf %sub3A_776 : vector<512x256xf32>
      %add3A_778 = arith.addf %add3A_771, %abs3A_777 : vector<512x256xf32>
      %slice3A_779 = vector.extract_strided_slice %select_n3A {offsets = [0, 58], sizes = [512, 1], strides = [1, 1]} : vector<512x64xf32> to vector<512x1xf32>
      %slice3A_780 = vector.extract_strided_slice %get3A_480 {offsets = [58, 0], sizes = [1, 256], strides = [1, 1]} : vector<64x256xf32> to vector<1x256xf32>
      %sub3A_781 = vector.broadcast %slice3A_779 : vector<512x1xf32> to vector<512x256xf32>
      %sub3A_782 = vector.broadcast %slice3A_780 : vector<1x256xf32> to vector<512x256xf32>
      %sub3A_783 = arith.subf %sub3A_781, %sub3A_782 : vector<512x256xf32>
      %abs3A_784 = math.absf %sub3A_783 : vector<512x256xf32>
      %add3A_785 = arith.addf %add3A_778, %abs3A_784 : vector<512x256xf32>
      %slice3A_786 = vector.extract_strided_slice %select_n3A {offsets = [0, 38], sizes = [512, 1], strides = [1, 1]} : vector<512x64xf32> to vector<512x1xf32>
      %slice3A_787 = vector.extract_strided_slice %get3A_480 {offsets = [38, 0], sizes = [1, 256], strides = [1, 1]} : vector<64x256xf32> to vector<1x256xf32>
      %sub3A_788 = vector.broadcast %slice3A_786 : vector<512x1xf32> to vector<512x256xf32>
      %sub3A_789 = vector.broadcast %slice3A_787 : vector<1x256xf32> to vector<512x256xf32>
      %sub3A_790 = arith.subf %sub3A_788, %sub3A_789 : vector<512x256xf32>
      %abs3A_791 = math.absf %sub3A_790 : vector<512x256xf32>
      %slice3A_792 = vector.extract_strided_slice %select_n3A {offsets = [0, 46], sizes = [512, 1], strides = [1, 1]} : vector<512x64xf32> to vector<512x1xf32>
      %slice3A_793 = vector.extract_strided_slice %get3A_480 {offsets = [46, 0], sizes = [1, 256], strides = [1, 1]} : vector<64x256xf32> to vector<1x256xf32>
      %sub3A_794 = vector.broadcast %slice3A_792 : vector<512x1xf32> to vector<512x256xf32>
      %sub3A_795 = vector.broadcast %slice3A_793 : vector<1x256xf32> to vector<512x256xf32>
      %sub3A_796 = arith.subf %sub3A_794, %sub3A_795 : vector<512x256xf32>
      %abs3A_797 = math.absf %sub3A_796 : vector<512x256xf32>
      %add3A_798 = arith.addf %abs3A_791, %abs3A_797 : vector<512x256xf32>
      %slice3A_799 = vector.extract_strided_slice %select_n3A {offsets = [0, 54], sizes = [512, 1], strides = [1, 1]} : vector<512x64xf32> to vector<512x1xf32>
      %slice3A_800 = vector.extract_strided_slice %get3A_480 {offsets = [54, 0], sizes = [1, 256], strides = [1, 1]} : vector<64x256xf32> to vector<1x256xf32>
      %sub3A_801 = vector.broadcast %slice3A_799 : vector<512x1xf32> to vector<512x256xf32>
      %sub3A_802 = vector.broadcast %slice3A_800 : vector<1x256xf32> to vector<512x256xf32>
      %sub3A_803 = arith.subf %sub3A_801, %sub3A_802 : vector<512x256xf32>
      %abs3A_804 = math.absf %sub3A_803 : vector<512x256xf32>
      %add3A_805 = arith.addf %add3A_798, %abs3A_804 : vector<512x256xf32>
      %slice3A_806 = vector.extract_strided_slice %select_n3A {offsets = [0, 62], sizes = [512, 1], strides = [1, 1]} : vector<512x64xf32> to vector<512x1xf32>
      %slice3A_807 = vector.extract_strided_slice %get3A_480 {offsets = [62, 0], sizes = [1, 256], strides = [1, 1]} : vector<64x256xf32> to vector<1x256xf32>
      %sub3A_808 = vector.broadcast %slice3A_806 : vector<512x1xf32> to vector<512x256xf32>
      %sub3A_809 = vector.broadcast %slice3A_807 : vector<1x256xf32> to vector<512x256xf32>
      %sub3A_810 = arith.subf %sub3A_808, %sub3A_809 : vector<512x256xf32>
      %abs3A_811 = math.absf %sub3A_810 : vector<512x256xf32>
      %add3A_812 = arith.addf %add3A_805, %abs3A_811 : vector<512x256xf32>
      %add3A_813 = arith.addf %add3A_785, %add3A_812 : vector<512x256xf32>
      %add3A_814 = arith.addf %add3A_758, %add3A_813 : vector<512x256xf32>
      %slice3A_815 = vector.extract_strided_slice %select_n3A {offsets = [0, 33], sizes = [512, 1], strides = [1, 1]} : vector<512x64xf32> to vector<512x1xf32>
      %slice3A_816 = vector.extract_strided_slice %get3A_480 {offsets = [33, 0], sizes = [1, 256], strides = [1, 1]} : vector<64x256xf32> to vector<1x256xf32>
      %sub3A_817 = vector.broadcast %slice3A_815 : vector<512x1xf32> to vector<512x256xf32>
      %sub3A_818 = vector.broadcast %slice3A_816 : vector<1x256xf32> to vector<512x256xf32>
      %sub3A_819 = arith.subf %sub3A_817, %sub3A_818 : vector<512x256xf32>
      %abs3A_820 = math.absf %sub3A_819 : vector<512x256xf32>
      %slice3A_821 = vector.extract_strided_slice %select_n3A {offsets = [0, 41], sizes = [512, 1], strides = [1, 1]} : vector<512x64xf32> to vector<512x1xf32>
      %slice3A_822 = vector.extract_strided_slice %get3A_480 {offsets = [41, 0], sizes = [1, 256], strides = [1, 1]} : vector<64x256xf32> to vector<1x256xf32>
      %sub3A_823 = vector.broadcast %slice3A_821 : vector<512x1xf32> to vector<512x256xf32>
      %sub3A_824 = vector.broadcast %slice3A_822 : vector<1x256xf32> to vector<512x256xf32>
      %sub3A_825 = arith.subf %sub3A_823, %sub3A_824 : vector<512x256xf32>
      %abs3A_826 = math.absf %sub3A_825 : vector<512x256xf32>
      %add3A_827 = arith.addf %abs3A_820, %abs3A_826 : vector<512x256xf32>
      %slice3A_828 = vector.extract_strided_slice %select_n3A {offsets = [0, 49], sizes = [512, 1], strides = [1, 1]} : vector<512x64xf32> to vector<512x1xf32>
      %slice3A_829 = vector.extract_strided_slice %get3A_480 {offsets = [49, 0], sizes = [1, 256], strides = [1, 1]} : vector<64x256xf32> to vector<1x256xf32>
      %sub3A_830 = vector.broadcast %slice3A_828 : vector<512x1xf32> to vector<512x256xf32>
      %sub3A_831 = vector.broadcast %slice3A_829 : vector<1x256xf32> to vector<512x256xf32>
      %sub3A_832 = arith.subf %sub3A_830, %sub3A_831 : vector<512x256xf32>
      %abs3A_833 = math.absf %sub3A_832 : vector<512x256xf32>
      %add3A_834 = arith.addf %add3A_827, %abs3A_833 : vector<512x256xf32>
      %slice3A_835 = vector.extract_strided_slice %select_n3A {offsets = [0, 57], sizes = [512, 1], strides = [1, 1]} : vector<512x64xf32> to vector<512x1xf32>
      %slice3A_836 = vector.extract_strided_slice %get3A_480 {offsets = [57, 0], sizes = [1, 256], strides = [1, 1]} : vector<64x256xf32> to vector<1x256xf32>
      %sub3A_837 = vector.broadcast %slice3A_835 : vector<512x1xf32> to vector<512x256xf32>
      %sub3A_838 = vector.broadcast %slice3A_836 : vector<1x256xf32> to vector<512x256xf32>
      %sub3A_839 = arith.subf %sub3A_837, %sub3A_838 : vector<512x256xf32>
      %abs3A_840 = math.absf %sub3A_839 : vector<512x256xf32>
      %add3A_841 = arith.addf %add3A_834, %abs3A_840 : vector<512x256xf32>
      %slice3A_842 = vector.extract_strided_slice %select_n3A {offsets = [0, 37], sizes = [512, 1], strides = [1, 1]} : vector<512x64xf32> to vector<512x1xf32>
      %slice3A_843 = vector.extract_strided_slice %get3A_480 {offsets = [37, 0], sizes = [1, 256], strides = [1, 1]} : vector<64x256xf32> to vector<1x256xf32>
      %sub3A_844 = vector.broadcast %slice3A_842 : vector<512x1xf32> to vector<512x256xf32>
      %sub3A_845 = vector.broadcast %slice3A_843 : vector<1x256xf32> to vector<512x256xf32>
      %sub3A_846 = arith.subf %sub3A_844, %sub3A_845 : vector<512x256xf32>
      %abs3A_847 = math.absf %sub3A_846 : vector<512x256xf32>
      %slice3A_848 = vector.extract_strided_slice %select_n3A {offsets = [0, 45], sizes = [512, 1], strides = [1, 1]} : vector<512x64xf32> to vector<512x1xf32>
      %slice3A_849 = vector.extract_strided_slice %get3A_480 {offsets = [45, 0], sizes = [1, 256], strides = [1, 1]} : vector<64x256xf32> to vector<1x256xf32>
      %sub3A_850 = vector.broadcast %slice3A_848 : vector<512x1xf32> to vector<512x256xf32>
      %sub3A_851 = vector.broadcast %slice3A_849 : vector<1x256xf32> to vector<512x256xf32>
      %sub3A_852 = arith.subf %sub3A_850, %sub3A_851 : vector<512x256xf32>
      %abs3A_853 = math.absf %sub3A_852 : vector<512x256xf32>
      %add3A_854 = arith.addf %abs3A_847, %abs3A_853 : vector<512x256xf32>
      %slice3A_855 = vector.extract_strided_slice %select_n3A {offsets = [0, 53], sizes = [512, 1], strides = [1, 1]} : vector<512x64xf32> to vector<512x1xf32>
      %slice3A_856 = vector.extract_strided_slice %get3A_480 {offsets = [53, 0], sizes = [1, 256], strides = [1, 1]} : vector<64x256xf32> to vector<1x256xf32>
      %sub3A_857 = vector.broadcast %slice3A_855 : vector<512x1xf32> to vector<512x256xf32>
      %sub3A_858 = vector.broadcast %slice3A_856 : vector<1x256xf32> to vector<512x256xf32>
      %sub3A_859 = arith.subf %sub3A_857, %sub3A_858 : vector<512x256xf32>
      %abs3A_860 = math.absf %sub3A_859 : vector<512x256xf32>
      %add3A_861 = arith.addf %add3A_854, %abs3A_860 : vector<512x256xf32>
      %slice3A_862 = vector.extract_strided_slice %select_n3A {offsets = [0, 61], sizes = [512, 1], strides = [1, 1]} : vector<512x64xf32> to vector<512x1xf32>
      %slice3A_863 = vector.extract_strided_slice %get3A_480 {offsets = [61, 0], sizes = [1, 256], strides = [1, 1]} : vector<64x256xf32> to vector<1x256xf32>
      %sub3A_864 = vector.broadcast %slice3A_862 : vector<512x1xf32> to vector<512x256xf32>
      %sub3A_865 = vector.broadcast %slice3A_863 : vector<1x256xf32> to vector<512x256xf32>
      %sub3A_866 = arith.subf %sub3A_864, %sub3A_865 : vector<512x256xf32>
      %abs3A_867 = math.absf %sub3A_866 : vector<512x256xf32>
      %add3A_868 = arith.addf %add3A_861, %abs3A_867 : vector<512x256xf32>
      %add3A_869 = arith.addf %add3A_841, %add3A_868 : vector<512x256xf32>
      %slice3A_870 = vector.extract_strided_slice %select_n3A {offsets = [0, 35], sizes = [512, 1], strides = [1, 1]} : vector<512x64xf32> to vector<512x1xf32>
      %slice3A_871 = vector.extract_strided_slice %get3A_480 {offsets = [35, 0], sizes = [1, 256], strides = [1, 1]} : vector<64x256xf32> to vector<1x256xf32>
      %sub3A_872 = vector.broadcast %slice3A_870 : vector<512x1xf32> to vector<512x256xf32>
      %sub3A_873 = vector.broadcast %slice3A_871 : vector<1x256xf32> to vector<512x256xf32>
      %sub3A_874 = arith.subf %sub3A_872, %sub3A_873 : vector<512x256xf32>
      %abs3A_875 = math.absf %sub3A_874 : vector<512x256xf32>
      %slice3A_876 = vector.extract_strided_slice %select_n3A {offsets = [0, 43], sizes = [512, 1], strides = [1, 1]} : vector<512x64xf32> to vector<512x1xf32>
      %slice3A_877 = vector.extract_strided_slice %get3A_480 {offsets = [43, 0], sizes = [1, 256], strides = [1, 1]} : vector<64x256xf32> to vector<1x256xf32>
      %sub3A_878 = vector.broadcast %slice3A_876 : vector<512x1xf32> to vector<512x256xf32>
      %sub3A_879 = vector.broadcast %slice3A_877 : vector<1x256xf32> to vector<512x256xf32>
      %sub3A_880 = arith.subf %sub3A_878, %sub3A_879 : vector<512x256xf32>
      %abs3A_881 = math.absf %sub3A_880 : vector<512x256xf32>
      %add3A_882 = arith.addf %abs3A_875, %abs3A_881 : vector<512x256xf32>
      %slice3A_883 = vector.extract_strided_slice %select_n3A {offsets = [0, 51], sizes = [512, 1], strides = [1, 1]} : vector<512x64xf32> to vector<512x1xf32>
      %slice3A_884 = vector.extract_strided_slice %get3A_480 {offsets = [51, 0], sizes = [1, 256], strides = [1, 1]} : vector<64x256xf32> to vector<1x256xf32>
      %sub3A_885 = vector.broadcast %slice3A_883 : vector<512x1xf32> to vector<512x256xf32>
      %sub3A_886 = vector.broadcast %slice3A_884 : vector<1x256xf32> to vector<512x256xf32>
      %sub3A_887 = arith.subf %sub3A_885, %sub3A_886 : vector<512x256xf32>
      %abs3A_888 = math.absf %sub3A_887 : vector<512x256xf32>
      %add3A_889 = arith.addf %add3A_882, %abs3A_888 : vector<512x256xf32>
      %slice3A_890 = vector.extract_strided_slice %select_n3A {offsets = [0, 59], sizes = [512, 1], strides = [1, 1]} : vector<512x64xf32> to vector<512x1xf32>
      %slice3A_891 = vector.extract_strided_slice %get3A_480 {offsets = [59, 0], sizes = [1, 256], strides = [1, 1]} : vector<64x256xf32> to vector<1x256xf32>
      %sub3A_892 = vector.broadcast %slice3A_890 : vector<512x1xf32> to vector<512x256xf32>
      %sub3A_893 = vector.broadcast %slice3A_891 : vector<1x256xf32> to vector<512x256xf32>
      %sub3A_894 = arith.subf %sub3A_892, %sub3A_893 : vector<512x256xf32>
      %abs3A_895 = math.absf %sub3A_894 : vector<512x256xf32>
      %add3A_896 = arith.addf %add3A_889, %abs3A_895 : vector<512x256xf32>
      %slice3A_897 = vector.extract_strided_slice %select_n3A {offsets = [0, 39], sizes = [512, 1], strides = [1, 1]} : vector<512x64xf32> to vector<512x1xf32>
      %slice3A_898 = vector.extract_strided_slice %get3A_480 {offsets = [39, 0], sizes = [1, 256], strides = [1, 1]} : vector<64x256xf32> to vector<1x256xf32>
      %sub3A_899 = vector.broadcast %slice3A_897 : vector<512x1xf32> to vector<512x256xf32>
      %sub3A_900 = vector.broadcast %slice3A_898 : vector<1x256xf32> to vector<512x256xf32>
      %sub3A_901 = arith.subf %sub3A_899, %sub3A_900 : vector<512x256xf32>
      %abs3A_902 = math.absf %sub3A_901 : vector<512x256xf32>
      %slice3A_903 = vector.extract_strided_slice %select_n3A {offsets = [0, 47], sizes = [512, 1], strides = [1, 1]} : vector<512x64xf32> to vector<512x1xf32>
      %slice3A_904 = vector.extract_strided_slice %get3A_480 {offsets = [47, 0], sizes = [1, 256], strides = [1, 1]} : vector<64x256xf32> to vector<1x256xf32>
      %sub3A_905 = vector.broadcast %slice3A_903 : vector<512x1xf32> to vector<512x256xf32>
      %sub3A_906 = vector.broadcast %slice3A_904 : vector<1x256xf32> to vector<512x256xf32>
      %sub3A_907 = arith.subf %sub3A_905, %sub3A_906 : vector<512x256xf32>
      %abs3A_908 = math.absf %sub3A_907 : vector<512x256xf32>
      %add3A_909 = arith.addf %abs3A_902, %abs3A_908 : vector<512x256xf32>
      %slice3A_910 = vector.extract_strided_slice %select_n3A {offsets = [0, 55], sizes = [512, 1], strides = [1, 1]} : vector<512x64xf32> to vector<512x1xf32>
      %slice3A_911 = vector.extract_strided_slice %get3A_480 {offsets = [55, 0], sizes = [1, 256], strides = [1, 1]} : vector<64x256xf32> to vector<1x256xf32>
      %sub3A_912 = vector.broadcast %slice3A_910 : vector<512x1xf32> to vector<512x256xf32>
      %sub3A_913 = vector.broadcast %slice3A_911 : vector<1x256xf32> to vector<512x256xf32>
      %sub3A_914 = arith.subf %sub3A_912, %sub3A_913 : vector<512x256xf32>
      %abs3A_915 = math.absf %sub3A_914 : vector<512x256xf32>
      %add3A_916 = arith.addf %add3A_909, %abs3A_915 : vector<512x256xf32>
      %slice3A_917 = vector.extract_strided_slice %select_n3A {offsets = [0, 63], sizes = [512, 1], strides = [1, 1]} : vector<512x64xf32> to vector<512x1xf32>
      %slice3A_918 = vector.extract_strided_slice %get3A_480 {offsets = [63, 0], sizes = [1, 256], strides = [1, 1]} : vector<64x256xf32> to vector<1x256xf32>
      %sub3A_919 = vector.broadcast %slice3A_917 : vector<512x1xf32> to vector<512x256xf32>
      %sub3A_920 = vector.broadcast %slice3A_918 : vector<1x256xf32> to vector<512x256xf32>
      %sub3A_921 = arith.subf %sub3A_919, %sub3A_920 : vector<512x256xf32>
      %abs3A_922 = math.absf %sub3A_921 : vector<512x256xf32>
      %add3A_923 = arith.addf %add3A_916, %abs3A_922 : vector<512x256xf32>
      %add3A_924 = arith.addf %add3A_896, %add3A_923 : vector<512x256xf32>
      %add3A_925 = arith.addf %add3A_869, %add3A_924 : vector<512x256xf32>
      %add3A_926 = arith.addf %add3A_814, %add3A_925 : vector<512x256xf32>
      %add3A_927 = arith.addf %add3A_703, %add3A_926 : vector<512x256xf32>
      %reduce_min3A_928 = arith.constant dense<0x7F800000> : vector<512xf32>
      %reduce_min3A_929 = vector.multi_reduction <minimumf>, %add3A_927, %reduce_min3A_928 [1] : vector<512x256xf32> to vector<512xf32>
      %broadcast_in_dim3A_930 = vector.shape_cast %reduce_min3A_929 : vector<512xf32> to vector<512x1xf32>
      %eq3A_931 = vector.broadcast %broadcast_in_dim3A_930 : vector<512x1xf32> to vector<512x256xf32>
      %eq3A_932 = arith.cmpf oeq, %add3A_927, %eq3A_931 : vector<512x256xf32>
      %add3A_933 = arith.constant 256 : i32
      %add3A_934 = vector.broadcast %add3A_933 : i32 to vector<512x256xi32>
      %add3A_935 = arith.addi %iota3A_18, %add3A_934 : vector<512x256xi32>
      %jit3A_936 = arith.constant 512 : i32
      %broadcast_in_dim3A_937 = vector.broadcast %jit3A_936 : i32 to vector<512x256xi32>
      %select_n3A_938 = arith.select %eq3A_932, %add3A_935, %broadcast_in_dim3A_937 : vector<512x256xi1>, vector<512x256xi32>
      %reduce_min3A_939 = arith.constant dense<2147483647> : vector<512xi32>
      %reduce_min3A_940 = vector.multi_reduction <minsi>, %select_n3A_938, %reduce_min3A_939 [1] : vector<512x256xi32> to vector<512xi32>
      %broadcast_in_dim3A_941 = vector.shape_cast %reduce_min3A_940 : vector<512xi32> to vector<512x1xi32>
      %lt3A_942 = arith.cmpf olt, %broadcast_in_dim3A_930, %broadcast_in_dim3A_467 : vector<512x1xf32>
      %select_n3A_943 = arith.select %lt3A_942, %broadcast_in_dim3A_941, %broadcast_in_dim3A_477 : vector<512x1xi1>, vector<512x1xi32>
      %iota3A_944 = tpu.iota {dimensions = array<i32: 1>} : vector<512x512xi32>
      %eq3A_945 = vector.broadcast %select_n3A_943 : vector<512x1xi32> to vector<512x512xi32>
      %eq3A_946 = arith.cmpi eq, %iota3A_944, %eq3A_945 : vector<512x512xi32>
      %convert_element_type3A_947 = arith.extui %eq3A_946 : vector<512x512xi1> to vector<512x512xi32>
      %convert_element_type3A_948 = arith.sitofp %convert_element_type3A_947 : vector<512x512xi32> to vector<512x512xf32>
      %get3A_949 = arith.constant 0 : index
      %get3A_950 = arith.constant 0 : index
      %get3A_951 = vector.load %arg3[%get3A_949, %get3A_950] : memref<512x64xf32, #tpu.memory_space<vmem>>, vector<512x64xf32>
      %dot_general3A = arith.constant dense<0.000000e+00> : vector<512x64xf32>
      %dot_general3A_952 = tpu.matmul %convert_element_type3A_948, %get3A_951, %dot_general3A {dimension_numbers = #tpu.dot_dimension_numbers<[1], [0], [0], [1], [0, 0, 1, 1], [], []>, precision = #tpu.contract_precision<fp32>, transpose_lhs_hint = false} : vector<512x512xf32>, vector<512x64xf32>, vector<512x64xf32> -> vector<512x64xf32>
      %ge3A_953 = vector.broadcast %get3A_0 : i32 to vector<512x1xi32>
      %ge3A_954 = arith.cmpi sge, %add3A_2, %ge3A_953 : vector<512x1xi32>
      %jit3A_955 = arith.constant 0.000000e+00 : f32
      %broadcast_in_dim3A_956 = vector.shape_cast %ge3A_954 : vector<512x1xi1> to vector<512x1xi1>
      %broadcast_in_dim3A_957 = vector.broadcast %broadcast_in_dim3A_956 : vector<512x1xi1> to vector<512x64xi1>
      %broadcast_in_dim3A_958 = vector.broadcast %jit3A_955 : f32 to vector<512x64xf32>
      %select_n3A_959 = arith.select %broadcast_in_dim3A_957, %broadcast_in_dim3A_958, %dot_general3A_952 : vector<512x64xi1>, vector<512x64xf32>
      %sub3A_960 = arith.subf %select_n3A_959, %select_n3A : vector<512x64xf32>
      %add3A_961 = arith.addf %select_n3A, %sub3A_960 : vector<512x64xf32>
      %swap3A = arith.constant 0 : index
      %swap3A_962 = arith.constant 0 : index
      %swap3A_963 = vector.load %arg5[%swap3A, %swap3A_962] : memref<512x64xf32, #tpu.memory_space<vmem>>, vector<512x64xf32>
      tpu.vector_store %arg5[%swap3A, %swap3A_962], %add3A_961 {strides = array<i32>} : memref<512x64xf32, #tpu.memory_space<vmem>>, vector<512x64xf32>,
      %sub3A_964 = arith.subf %select_n3A, %select_n3A_959 : vector<512x64xf32>
      %mul3A_965 = arith.mulf %sub3A_964, %sub3A_964 : vector<512x64xf32>
      %reduce_sum3A = vector.shape_cast %mul3A_965 : vector<512x64xf32> to vector<1x512x64xf32>
      %reduce_sum3A_966 = arith.constant dense<0.000000e+00> : vector<1xf32>
      %reduce_sum3A_967 = vector.multi_reduction <add>, %reduce_sum3A, %reduce_sum3A_966 [1, 2] : vector<1x512x64xf32> to vector<1xf32>
      %reduce_sum3A_968 = vector.shape_cast %reduce_sum3A_967 : vector<1xf32> to vector<1x1x1xf32>
      %reduce_sum3A_969 = vector.extract %reduce_sum3A_968[0, 0, 0] : f32 from vector<1x1x1xf32>
      %reshape3A = vector.broadcast %reduce_sum3A_969 : f32 to vector<1x1xf32>
      %eq3A_970 = arith.constant 0 : i32
      %eq3A_971 = arith.cmpi eq, %arg0, %eq3A_970 : i32
      %convert_element_type3A_972 = arith.extui %eq3A_971 : i1 to i32
      %cond3A_973 = arith.constant 0 : i32
      %cond3A_974 = arith.cmpi ne, %convert_element_type3A_972, %cond3A_973 : i32
      scf.if %cond3A_974 {
        %swap3A_979 = arith.constant 0 : index
        %swap3A_980 = arith.constant 0 : index
        %swap3A_981 = vector.load %arg6[%swap3A_979, %swap3A_980] : memref<1x1xf32, #tpu.memory_space<vmem>>, vector<1x1xf32>
        tpu.vector_store %arg6[%swap3A_979, %swap3A_980], %reshape3A {strides = array<i32>} : memref<1x1xf32, #tpu.memory_space<vmem>>, vector<1x1xf32>,
      } else {
      }
      %ne3A = arith.constant 0 : i32
      %ne3A_975 = arith.cmpi ne, %arg0, %ne3A : i32
      %convert_element_type3A_976 = arith.extui %ne3A_975 : i1 to i32
      %cond3A_977 = arith.constant 0 : i32
      %cond3A_978 = arith.cmpi ne, %convert_element_type3A_976, %cond3A_977 : i32
      scf.if %cond3A_978 {
        %get3A_979 = arith.constant 0 : index
        %get3A_980 = arith.constant 0 : index
        %get3A_981 = vector.load %arg6[%get3A_979, %get3A_980] : memref<1x1xf32, #tpu.memory_space<vmem>>, vector<1x1xf32>
        %add3A_982 = arith.addf %get3A_981, %reshape3A : vector<1x1xf32>
        %swap3A_983 = arith.constant 0 : index
        %swap3A_984 = arith.constant 0 : index
        %swap3A_985 = vector.load %arg6[%swap3A_983, %swap3A_984] : memref<1x1xf32, #tpu.memory_space<vmem>>, vector<1x1xf32>
        tpu.vector_store %arg6[%swap3A_983, %swap3A_984], %add3A_982 {strides = array<i32>} : memref<1x1xf32, #tpu.memory_space<vmem>>, vector<1x1xf32>,
      } else {
      }
    } else {
    }
    %mul3A_6 = arith.constant 512 : i32
    %mul3A_7 = arith.muli %arg0, %mul3A_6 : i32
    %ge3A = arith.cmpi sge, %mul3A_7, %get3A_0 : i32
    %convert_element_type3A_8 = arith.extui %ge3A : i1 to i32
    %cond3A_9 = arith.constant 0 : i32
    %cond3A_10 = arith.cmpi ne, %convert_element_type3A_8, %cond3A_9 : i32
    scf.if %cond3A_10 {
      %broadcast_in_dim3A = arith.constant 0.000000e+00 : f32
      %broadcast_in_dim3A_11 = vector.broadcast %broadcast_in_dim3A : f32 to vector<512x64xf32>
      %swap3A = arith.constant 0 : index
      %swap3A_12 = arith.constant 0 : index
      %swap3A_13 = vector.load %arg5[%swap3A, %swap3A_12] : memref<512x64xf32, #tpu.memory_space<vmem>>, vector<512x64xf32>
      tpu.vector_store %arg5[%swap3A, %swap3A_12], %broadcast_in_dim3A_11 {strides = array<i32>} : memref<512x64xf32, #tpu.memory_space<vmem>>, vector<512x64xf32>,
      %eq3A = arith.constant 0 : i32
      %eq3A_14 = arith.cmpi eq, %arg0, %eq3A : i32
      %convert_element_type3A_15 = arith.extui %eq3A_14 : i1 to i32
      %cond3A_16 = arith.constant 0 : i32
      %cond3A_17 = arith.cmpi ne, %convert_element_type3A_15, %cond3A_16 : i32
      scf.if %cond3A_17 {
        %broadcast_in_dim3A_18 = arith.constant 0.000000e+00 : f32
        %broadcast_in_dim3A_19 = vector.broadcast %broadcast_in_dim3A_18 : f32 to vector<1x1xf32>
        %swap3A_20 = arith.constant 0 : index
        %swap3A_21 = arith.constant 0 : index
        %swap3A_22 = vector.load %arg6[%swap3A_20, %swap3A_21] : memref<1x1xf32, #tpu.memory_space<vmem>>, vector<1x1xf32>
        tpu.vector_store %arg6[%swap3A_20, %swap3A_21], %broadcast_in_dim3A_19 {strides = array<i32>} : memref<1x1xf32, #tpu.memory_space<vmem>>, vector<1x1xf32>,
      } else {
      }
    } else {
    }
    return
  }
  func.func @transform_0(%arg0: i32, %arg1: memref<1xi32, #tpu.memory_space<smem>>) -> (i32, i32) {
    %c0_i32 = arith.constant 0 : i32
    %c0_i32_0 = arith.constant 0 : i32
    return %arg0, %c0_i32 : i32, i32
  }
  func.func @transform_1(%arg0: i32, %arg1: memref<1xi32, #tpu.memory_space<smem>>) -> (i32, i32) {
    %c0_i32 = arith.constant 0 : i32
    %c0_i32_0 = arith.constant 0 : i32
    %c0_i32_1 = arith.constant 0 : i32
    return %c0_i32, %c0_i32_0 : i32, i32
  }
  func.func @transform_2(%arg0: i32, %arg1: memref<1xi32, #tpu.memory_space<smem>>) -> (i32, i32) {
    %c0_i32 = arith.constant 0 : i32
    %c0_i32_0 = arith.constant 0 : i32
    %c0_i32_1 = arith.constant 0 : i32
    return %c0_i32, %c0_i32_0 : i32, i32
  }
  func.func @transform_3(%arg0: i32, %arg1: memref<1xi32, #tpu.memory_space<smem>>) -> (i32, i32) {
    %c0_i32 = arith.constant 0 : i32
    %c0_i32_0 = arith.constant 0 : i32
    return %arg0, %c0_i32 : i32, i32
  }
  func.func @transform_4(%arg0: i32, %arg1: memref<1xi32, #tpu.memory_space<smem>>) -> (i32, i32) {
    %c0_i32 = arith.constant 0 : i32
    %c0_i32_0 = arith.constant 0 : i32
    %c0_i32_1 = arith.constant 0 : i32
    return %c0_i32, %c0_i32_0 : i32, i32
  }
}

</mosaic_0001>

<sc_bundles>
// kernel: gather_offload_async_start
scs
__scs_entry_jumppad:
0x0: {  	(pc) =	sbr.rel $0x88, $3  }
0x1: {  	(tag) =	ssettag $0x0;
	lr =	simm.s32 $0x1  }
0x2: {  	[smem:$0x3F9E] =	sst lr;
	_ =	strace $0xD0000000  }
0x3: {  	_ = 	snop  }
0x4: {  	_ = 	snop  }
0x5: {  	_ = 	snop  }
0x6: {  	_ = 	snop  }
0x7: {  	_ = 	snop  }
__scs_overlays_trampoline_lowered:
0x8: {  	[smem:$0x3FAD] =	sst s0  }
0x9: {  	[smem:$0x3FAE] =	sst s1  }
0xa: {  	[smem:$0x3FAF] =	sst s2  }
0xb: {  	[smem:$0x3FB0] =	sst s3  }
0xc: {  	[smem:$0x3FB1] =	sst s4  }
0xd: {  	[smem:$0x3FB2] =	sst s5  }
0xe: {  	[smem:$0x3FB3] =	sst s6  }
0xf: {  	[smem:$0x3FB4] =	sst s7  }
0x10: {  	[smem:$0x3FB5] =	sst s8  }
0x11: {  	[smem:$0x3FB6] =	sst s9;
	s0 =	simm.s32 @!p0 $0x0  }
0x12: {  	s1 =	sld [smem:$0x3F9C];
	s0 =	simm.s32 @p0 $0x1  }
0x13: {  	[smem:$0x3FB7] =	sst s0;
	s0 =	simm.s32 @!p1 $0x0  }
0x14: {  	s2 =	sld [smem:$0x3F9B];
	s0 =	simm.s32 @p1 $0x1  }
0x15: {  	[smem:$0x3FB8] =	sst s0;
	s0 =	simm.s32 @!p2 $0x0  }
0x16: {  	s3 =	sld [smem:$0x3FDB];
	s0 =	simm.s32 @p2 $0x1  }
0x17: {  	s4 =	simm.s32 $0x1BF5;
	[smem:$0x3FBA] =	sst s0  }
0x18: {  	s0 =	sld [smem:$0x3F9D];
	_ =	swait.ge [sflag:s4], $0x0  }
0x19: {  	s7 =	sld [smem:$0x3F9E]  }
0x1a: {  	s8 =	sadd.s32 $0xFFFFE003, lr  }
0x1b: {  	s9 =	sadd.s32 $0xFFFFFEF7, lr;
	s5 =	simm.s32 $0xFFFFFFFF;
	p2 =	slt.u32 s8, $0xFFFFF086  }
0x1c: {  	p1 =	slt.u32 s9, $0xF7A;
	s5 =	simm.s32 @!p2 $0x0  }
0x1d: {  	s5 =	simm.s32 @p1 $0x1;
	p0 =	seq.s32 s7, s2  }
0x1e: {  	s7 =	smul.u32 @!p0 $0xF7A, s2;
	p2 =	seq.s32 @!p0 s5, $0x0  }
0x1f: {  	s9 =	smul.u32 $0xF7A, s1;
	s8 =	simm.s32 @!p0 $0x1BF5;
	p2 =	por !p2, p0  }
0x20: {  	[sflag:s8] =	ssyncset.s32 @!p0 $0xFFFFF086;
	s6 =	sadd.s32 @!p0 s3, s7;
	s7 =	simm.s32 @!p0 $0x108  }
0x21: {  	s3 =	sadd.s32 s3, s9;
	s6 =	sadd.s32 @!p0 $0x88, s6;
	s7 =	simm.s32 @p2 $0x1082  }
0x22: {  	[simem:s7], [sflag:s8] =	dma.local @!p0 [hbm:s6], $0xF7A  }
0x23: {  	s9 =	sor.u32 $0xD0000000, s2;
	s6 =	simm.s32 $0x108;
	_ =	swait.ge @!p0 [sflag:s8], $0x0  }
0x24: {  	s3 =	sadd.s32 $0x88, s3;
	s6 =	simm.s32 @!p1 $0x1082;
	[sflag:s4] =	ssyncset.s32 $0xFFFFF086  }
0x25: {  	[simem:s6], [sflag:s4] =	dma.local [hbm:s3], $0xF7A  }
0x26: {  	[smem:$0x3F9E] =	sst s1;
	(tag) =	ssettag s2;
	_ =	strace s9  }
0x27: {  	s1 =	sld [smem:$0x3FAE]  }
0x28: {  	s2 =	sld [smem:$0x3FAF]  }
0x29: {  	s4 =	sld [smem:$0x3FB1]  }
0x2a: {  	p0 =	seq.s32 s5, $0x0;
	s5 =	sld [smem:$0x3FB2]  }
0x2b: {  	s6 =	sld [smem:$0x3FB3]  }
0x2c: {  	s7 =	sld [smem:$0x3FB4]  }
0x2d: {  	s3 =	simm.s32 $0x108;
	s8 =	sld [smem:$0x3FB5]  }
0x2e: {  	s3 =	simm.s32 @!p0 $0x1082;
	s9 =	sld [smem:$0x3FB6]  }
0x2f: {  	lr =	sadd.s32 s0, s3;
	s0 =	sld [smem:$0x3FAD]  }
0x30: {  	s3 =	sld [smem:$0x3FB0]  }
0x31: {  	[smem:$0x3FB9] =	sst s10  }
0x32: {  	s10 =	sld [smem:$0x3FB7];
	_ =	sdelay $0x3  }
0x33: {  	p0 =	seq.s32 s10, $0x1;
	s10 =	sld [smem:$0x3FB9];
	_ =	sdelay $0x3  }
0x34: {  	[smem:$0x3FB9] =	sst s10  }
0x35: {  	s10 =	sld [smem:$0x3FB8];
	_ =	sdelay $0x3  }
0x36: {  	p1 =	seq.s32 s10, $0x1;
	s10 =	sld [smem:$0x3FB9];
	_ =	sdelay $0x3  }
0x37: {  	[smem:$0x3FB9] =	sst s10  }
0x38: {  	s10 =	sld [smem:$0x3FBA]  }
0x39: {  	_ = 	snop;
	(pc) =	sbr.ind lr, $3  }
0x3a: {  	_ = 	snop  }
0x3b: {  	_ = 	snop  }
0x3c: {  	p2 =	seq.s32 s10, $0x1;
	s10 =	sld [smem:$0x3FB9]  }
0x3d: {  	_ =	shalt  }
0x3e: {  	_ =	shalt  }
0x3f: {  	_ =	shalt  }
0x40: {  	_ =	shalt  }
0x41: {  	_ =	shalt  }
0x42: {  	_ =	shalt  }
0x43: {  	_ =	shalt  }
0x44: {  	_ =	shalt  }
0x45: {  	_ =	shalt  }
0x46: {  	_ =	shalt  }
0x47: {  	_ =	shalt  }
0x48: {  	_ =	shalt  }
0x49: {  	_ =	shalt  }
0x4a: {  	_ =	shalt  }
0x4b: {  	_ =	shalt  }
0x4c: {  	_ =	shalt  }
0x4d: {  	_ =	shalt  }
0x4e: {  	_ =	shalt  }
0x4f: {  	_ =	shalt  }
0x50: {  	_ =	shalt  }
0x51: {  	_ =	shalt  }
0x52: {  	_ =	shalt  }
0x53: {  	_ =	shalt  }
0x54: {  	_ =	shalt  }
0x55: {  	_ =	shalt  }
0x56: {  	_ =	shalt  }
0x57: {  	_ =	shalt  }
0x58: {  	_ =	shalt  }
0x59: {  	_ =	shalt  }
0x5a: {  	_ =	shalt  }
0x5b: {  	_ =	shalt  }
0x5c: {  	_ =	shalt  }
0x5d: {  	_ =	shalt  }
0x5e: {  	_ =	shalt  }
0x5f: {  	_ =	shalt  }
0x60: {  	_ =	shalt  }
0x61: {  	_ =	shalt  }
0x62: {  	_ =	shalt  }
0x63: {  	_ =	shalt  }
0x64: {  	_ =	shalt  }
0x65: {  	_ =	shalt  }
0x66: {  	_ =	shalt  }
0x67: {  	_ =	shalt  }
0x68: {  	_ =	shalt  }
0x69: {  	_ =	shalt  }
0x6a: {  	_ =	shalt  }
0x6b: {  	_ =	shalt  }
0x6c: {  	_ =	shalt  }
0x6d: {  	_ =	shalt  }
0x6e: {  	_ =	shalt  }
0x6f: {  	_ =	shalt  }
0x70: {  	_ =	shalt  }
0x71: {  	_ =	shalt  }
0x72: {  	_ =	shalt  }
0x73: {  	_ =	shalt  }
0x74: {  	_ =	shalt  }
0x75: {  	_ =	shalt  }
0x76: {  	_ =	shalt  }
0x77: {  	_ =	shalt  }
0x78: {  	_ =	shalt  }
0x79: {  	_ =	shalt  }
0x7a: {  	_ =	shalt  }
0x7b: {  	_ =	shalt  }
0x7c: {  	_ =	shalt  }
0x7d: {  	_ =	shalt  }
0x7e: {  	_ =	shalt  }
0x7f: {  	_ =	shalt  }
0x80: {  	_ =	shalt  }
0x81: {  	_ =	shalt  }
0x82: {  	_ =	shalt  }
0x83: {  	_ =	shalt  }
0x84: {  	_ =	shalt  }
0x85: {  	_ =	shalt  }
0x86: {  	_ =	shalt  }
0x87: {  	_ =	shalt  }
.Lfunc_end0:
.L_simem_size_0:
called_computation_lowered:
.L_overlay_start_0:
0x88: {  	s2 =	sld [smem:$0x3FD9]  }
0x89: {  	s3 =	sld [smem:$0x3FFE];
	_ =	sdelay $0x1  }
0x8a: {  	s1 =	srdreg.scid  }
0x8b: {  	s0 =	sand.u32 $0x1, s1  }
0x8c: {  	s14 =	sshll.u32 s0, $0xA;
	s2 =	sadd.s32 s3, s2  }
0x8d: {  	s2 =	sadd.s32 s2, s14  }
0x8e: {  	[smem:$0x3FC5] =	sst s2  }
0x8f: {  	_ = 	snop  }
0x90: {  	s2 =	sld [smem:$0x3FD0];
	_ =	sdelay $0x2  }
0x91: {  	s15 =	simm.s32 $0xA;
	s4 =	simm.s32 $0x10  }
0x92: {  	[smem:s4], [sflag:s15] =	dma.local [hbm:s2], $0x1  }
0x93: {  	_ =	swait.eq [sflag:s15], $0x1  }
0x94: {  	[sflag:s15] =	ssyncset.done $0x0  }
0x95: {  	[sflag:s15] =	ssyncadd.s32 $0xFFFFFFFF  }
0x96: {  	s16 =	sld [smem:$0x10];
	(tm) =	ssettm $0x1  }
0x97: {  	s17 =	sld [smem:$0x3FFB];
	_ =	sdelay $0x3  }
0x98: {  	_ =	strace s17  }
0x99: {  	s3 =	sld [smem:$0x3FFC];
	_ =	sdelay $0x3  }
0x9a: {  	_ =	strace s3  }
0x9b: {  	s3 =	sld [smem:$0x3FFD];
	_ =	sdelay $0x3  }
0x9c: {  	_ =	strace s3  }
0x9d: {  	_ =	strace $0x8FFFFFFF  }
0x9e: {  	s18 =	sld [smem:$0x3FDB];
	_ =	sdelay $0x1  }
0x9f: {  	s19 =	simm.s32 $_scs_section_size  }
0xa0: {  	s5 =	simm.s32 $_size__tile_overlayer_lowered;
	s6 =	simm.s32 $_tile_overlayer_lowered  }
0xa1: {  	s22 =	simm.s32 $0x1BFF;
	s21 =	sshll.u32 s6, $0x1;
	s3 =	sadd.s32 s19, s18  }
0xa2: {  	s7 =	simm.s32 $0x0;
	s20 =	sshll.u32 s5, $0x1;
	s5 =	sadd.s32 s21, s3  }
0xa3: {  	[timem:s7], [sflag:s22] =	dma.local [hbm:s5], s20  }
0xa4: {  	_ =	swait.ge [sflag:s22], s20  }
0xa5: {  	s4 =	ssub.s32 $0x0, s20;
	[sflag:s22] =	ssyncset.done $0x0  }
0xa6: {  	[sflag:s22] =	ssyncadd.s32 s4;
	_ =	sdelay $0x1  }
0xa7: {  	s23 =	simm.s32 $0x1B8B  }
0xa8: {  	_ =	swait.ge [sflag:s23], $0x1  }
0xa9: {  	[sflag:s23] =	ssyncset.done $0x0  }
0xaa: {  	s25 =	simm.s32 $0x1B8E;
	s24 =	sld [smem:$0x3FFE];
	[sflag:s23] =	ssyncadd.s32 $0xFFFFFFFF  }
0xab: {  	s26 =	simm.s32 $execute0_lowered;
	[smem:$0x3FD2] =	sst s25  }
0xac: {  	s5 =	sshll.u32 s26, $0x1;
	_ =	strace $0x80000046;
	[dreg:$0x1] =	wrdreg $0xFFFFFFFF  }
0xad: {  	s28 =	simm.s32 $_size_execute0_lowered;
	s3 =	sadd.s32 s3, s5;
	[dreg:$0x0] =	wrdreg $0x0  }
0xae: {  	s5 =	sshll.u32 s28, $0x1;
	[dreg:$0x2] =	wrdreg s3  }
0xaf: {  	[dreg:$0x3] =	wrdreg s5  }
0xb0: {  	[dreg:$0x4] =	wrdreg $0xC0  }
0xb1: {  	_ =	task [dreg:s7], $0x5FFFF  }
0xb2: {  	[dreg:$0x1] =	wrdreg $0xFFFFFFFF  }
0xb3: {  	[dreg:$0x0] =	wrdreg $0x60  }
0xb4: {  	[dreg:$0x2] =	wrdreg s24  }
0xb5: {  	[dreg:$0x3] =	wrdreg s16  }
0xb6: {  	[dreg:$0x4] =	wrdreg $0x9  }
0xb7: {  	_ =	task.clear_ibuf [dreg:s7], $0x5FFFF;
	_ =	strace $0x90000046  }
0xb8: {  	s29 =	simm.s32 $0x9;
	_ =	strace $0x80000048  }
0xb9: {  	_ =	swait.ge [sflag:s29], $0x1  }
0xba: {  	[sflag:s29] =	ssyncadd.s32 $0xFFFFFFFF  }
0xbb: {  	_ =	strace $0x90000048  }
0xbc: {  	_ =	sfence  }
0xbd: {  	s30 =	sld [smem:$0x0];
	_ =	sdelay $0x2  }
0xbe: {  	s31 =	sshll.u32 s1, $0xD;
	s1 =	sshrl.u32 s1, $0x2  }
0xbf: {  	s3 =	sand.u32 $0x4000, s31;
	s1 =	sadd.s32 s1, s30  }
0xc0: {  	s0 =	sor.u32 s3, s0;
	s1 =	sshll.u32 s1, $0x11  }
0xc1: {  	s0 =	sor.u32 s1, s0  }
0xc2: {  	s0 =	sadd.s32 $0x8F2B, s0  }
0xc3: {  	[sflag:s0] =	ssyncadd.remote.s32 $0x1  }
0xc4: {  	_ =	sfence.sel $0xFFFF  }
0xc5: {  	[dreg:$0x0] =	wrdreg $0xFFFFFFFF;
	(pc) =	sbr.abs _section_cstart, $3  }
0xc6: {  	[dreg:$0x1] =	wrdreg $0xFFFFFFFF  }
0xc7: {  	_ =	task.clear_ibuf [dreg:s7], $0x2FFFF;
	_ =	strace $0x9FFFFFFF  }
0xc8: {  	(tm) =	ssettm $0x7FFFFFFF  }
0xc9: {  	_ =	shalt  }
tec
execute0_lowered:
.L_overlay_start_1:
0x0: {  	(tag) =	ssettag $0x1  }
0x1: {  	s0 =	srdreg.scid  }
0x2: {  	s1 =	sshll.u32 s0, $0x4  }
0x3: {  	s0 =	stileid.u32;
	s1 =	sand.u32 $0x10, s1  }
0x4: {  	s9 =	rddreg [dreg:$0x0];
	s1 =	sor.u32 s0, s1  }
0x5: {  	s3 =	rddreg [dreg:$0x1];
	s2 =	smin.u32 s1, $0x4  }
0x6: {  	p0 =	slt.u32 s1, $0x4;
	s2 =	sadd.s32 s1, s2;
	s1 =	simm.s32 $0x100  }
0x7: {  	s6 =	simm.s32 $0x1;
	s2 =	sshll.u32 s2, $0x7;
	s1 =	simm.s32 @!p0 $0x80  }
0x8: {  	s7 =	simm.s32 $0x2;
	s10 =	simm.s32 $0x3;
	s4 =	sadd.s32 s1, s2  }
0x9: {  	s13 =	simm.s32 $0x0;
	s12 =	simm.s32 $0x0;
	s4 =	smin.u32 s4, $0x1200  }
.Ltmp0:
0xa: {  	s5 =	sadd.s32 $0x200, s9;
	s8 =	ssub.s32 s4, s2;
	(pc) =	sbr.rel .LBB2_1-.Ltmp0, $4  }
0xb: {  	s1 =	rddreg [dreg:$0x2];
	_ =	strace $0x80000047;
	p0 =	sgt.s32 s8, $0x0  }
0xc: {  	s9 =	sadd.s32 $0x12200, s9;
	[sflag:s6] =	ssyncpa.u1 $0x0;
	s8 =	simm.s32 @!p0 $0x0  }
0xd: {  	s11 =	smov.u32 s2;
	[sflag:s7] =	ssyncpa.u1 $0x0;
	s8 =	sshrl.u32 s8, $0x7  }
0xe: {  	vm0 =	vmmov $0xff;
	vm1 =	vcmask $0x3F20;
	[sflag:s10] =	ssyncpa.u1 $0x0;
	p0 =	por $0x0, $0x0;
	s10 =	sadd.s32 $0x1, s8  }
.LBB2_6:
0xf: {  	[hbm:s17] =	stream.linear.scatter [tilespmem:s14], [sflag:$0x3], $0x400, $0x38;
	[tilespmem:$0x8100] =	vst v63  }
.LBB2_7:
0x10: {  	s13 =	sadd.s32 $0x80, s11  }
0x11: {  	s15 =	smov.u32 s2;
	p2 =	slt.s32 s13, s4  }
0x12: {  	s15 =	smov.u32 @p2 s13;
	p2 =	sne.s32 s12, s10  }
.Ltmp1:
0x13: {  	p1 =	slt.u32 s12, $0x2;
	(pc) =	sbr.rel @!p2 .LBB2_8-.Ltmp1, $4  }
0x14: {  	s14 =	simm.s32 @!p1 $0x3  }
0x15: {  	s16 =	sadd.s32 $0x1, s12;
	_ =	swait.ge @!p1 [sflag:s14], $0x4000  }
0x16: {  	p0 =	por !p0, !p0;
	s13 =	smov.u32 s11;
	[sflag:s14] =	ssyncset.done @!p1 $0x0  }
0x17: {  	s12 =	smov.u32 s16;
	s11 =	smov.u32 s15;
	[sflag:s14] =	ssyncadd.s32 @!p1 $0xFFFFC000  }
.LBB2_1:
0x18: {  	p1 =	sge.u32 s12, s8  }
0x19: {  	s14 =	sxor.u32 @!p1 $0xFFFFFFFF, s12  }
0x1a: {  	s31 =	sadd.s32 $0xFFFFFFFF, s12;
	s15 =	sshrl.u32 @!p1 s11, $0x3;
	s14 =	sshll.u32 @!p1 s14, $0x7  }
0x1b: {  	s16 =	sand.u32 @!p1 $0x7, s11;
	s15 =	sadd.s32 @!p1 s3, s15;
	s14 =	sand.u32 @!p1 $0x80, s14  }
0x1c: {  	[tilespmem:s14], [sflag:$0x2] =	stream.linear.gather @!p1 [hbm4b:s15+s16], $0x80, $0x38;
	[tilespmem:$0x8100] =	vst v63  }
0x1d: {  	p1 =	sge.u32 s31, s8  }
.Ltmp2:
0x1e: {  	_ = 	snop;
	(pc) =	sbr.rel @p1 .LBB2_7-.Ltmp2, $1  }
0x1f: {  	_ =	sdelay $0x3  }
0x20: {  	s14 =	simm.s32 $0x1  }
0x21: {  	_ =	swait.ge [sflag:s7], $0x80;
	s14 =	simm.s32 @!p0 $0x0  }
0x22: {  	[sflag:s7] =	ssyncset.done $0x0;
	s16 =	sshll.u32 s14, $0x7  }
0x23: {  	[sflag:s7] =	ssyncadd.s32 $0xFFFFFF80;
	s15 =	sadd.s32 $0x0, s16  }
0x24: {  	v0 =	vld.msk [tilespmem:s15+$0x0 ss:$0x1], $0xffff;
	_ =	sdelay $0x4  }
0x25: {  	vm2 =	vgt.s32 v0, $0x0  }
0x26: {  	v0 =	vnsel vm2, $0x0, v0  }
0x27: {  	v0 =	vmin.u32 v0, $0x11FF  }
0x28: {  	v0 =	vshll.u32 v0, $0x4;
	_ =	sdelay $0x2  }
0x29: {  	s14 =	sshll.u32 s14, $0xE  }
0x2a: {  	s14 =	sor.u32 $0x100, s14  }
0x2b: {  	[tilespmem:s14], [sflag:$0x1] =	stream.indirect_vreg.gather [hbm:s5], $0x80, v0, vm0, $0x38;
	[tilespmem:$0x8100] =	vst v63  }
0x2c: {  	s17 =	sadd.s32 $0x10, s16;
	s15 =	sadd.s32 $0x400, s14  }
0x2d: {  	[tilespmem:s15], [sflag:$0x1] =	stream.indirect_vreg.gather [hbm:s5], $0x80, v0, vm1, $0x38;
	[tilespmem:$0x8100] =	vst v63  }
0x2e: {  	s18 =	simm.s32 $0x80;
	v0 =	vld.msk [tilespmem:s17+$0x0 ss:$0x1], $0xffff;
	s17 =	smov.u32 s14  }
.LBB2_3:
0x2f: {  	p1 =	sne.s32 s18, $0x1C0;
	_ =	sdelay $0x4  }
0x30: {  	vm2 =	vgt.s32 v0, $0x0  }
0x31: {  	v0 =	vnsel vm2, $0x0, v0  }
0x32: {  	v0 =	vmin.u32 v0, $0x11FF  }
0x33: {  	v0 =	vshll.u32 v0, $0x4;
	_ =	sdelay $0x3  }
.Ltmp3:
0x34: {  	s19 =	sshra.s32 s18, $0x2;
	s17 =	sadd.s32 $0x800, s17;
	(pc) =	sbr.rel @p1 .LBB2_3-.Ltmp3, $4  }
0x35: {  	[tilespmem:s17], [sflag:$0x1] =	stream.indirect_vreg.gather [hbm:s5], $0x80, v0, vm0, $0x38;
	[tilespmem:$0x8100] =	vst v63  }
0x36: {  	s19 =	sadd.s32 s19, s16;
	s20 =	sadd.s32 $0x400, s17  }
0x37: {  	[tilespmem:s20], [sflag:$0x1] =	stream.indirect_vreg.gather [hbm:s5], $0x80, v0, vm1, $0x38;
	[tilespmem:$0x8100] =	vst v63  }
0x38: {  	s18 =	sadd.s32 $0x40, s18;
	v0 =	vld.msk [tilespmem:s19+$0x0 ss:$0x1], $0xffff  }
0x39: {  	_ =	sdelay $0x3  }
0x3a: {  	vm2 =	vgt.s32 v0, $0x0  }
0x3b: {  	v0 =	vnsel vm2, $0x0, v0  }
0x3c: {  	v0 =	vmin.u32 v0, $0x11FF  }
0x3d: {  	v0 =	vshll.u32 v0, $0x4;
	_ =	sdelay $0x3  }
0x3e: {  	s16 =	sadd.s32 $0x800, s17  }
0x3f: {  	[tilespmem:s16], [sflag:$0x1] =	stream.indirect_vreg.gather [hbm:s5], $0x80, v0, vm0, $0x38;
	[tilespmem:$0x8100] =	vst v63  }
0x40: {  	s16 =	sadd.s32 $0x400, s16  }
0x41: {  	[tilespmem:s16], [sflag:$0x1] =	stream.indirect_vreg.gather [hbm:s5], $0x80, v0, vm1, $0x38;
	[tilespmem:$0x8100] =	vst v63  }
0x42: {  	s13 =	sshll.u32 s13, $0x4;
	_ =	swait.ge [sflag:s6], $0x4000  }
0x43: {  	s13 =	sadd.s32 s13, s9;
	[sflag:s6] =	ssyncset.done $0x0  }
0x44: {  	s17 =	sadd.s32 $0x0, s13;
	s16 =	simm.s32 $0x80;
	[sflag:s6] =	ssyncadd.s32 $0xFFFFC000  }
.LBB2_5:
0x45: {  	[hbm:s17] =	stream.linear.scatter [tilespmem:s14], [sflag:$0x3], $0x400, $0x38;
	[tilespmem:$0x8100] =	vst v63  }
0x46: {  	s17 =	smov.u32 s16;
	s14 =	smov.u32 s15;
	p1 =	sne.s32 s16, $0x780  }
.Ltmp4:
0x47: {  	s16 =	sadd.s32 $0x80, s16;
	(pc) =	sbr.rel @p1 .LBB2_5-.Ltmp4, $2  }
0x48: {  	_ =	sdelay $0x2  }
0x49: {  	s15 =	sadd.s32 $0x400, s15;
	s17 =	sadd.s32 s17, s13  }
.Ltmp5:
0x4a: {  	_ = 	snop;
	(pc) =	sbr.rel .LBB2_6-.Ltmp5, $1  }
0x4b: {  	_ =	sdelay $0x3  }
.LBB2_8:
0x4c: {  	_ =	sfence.sel $0x180000  }
0x4d: {  	s2 =	simm.s32 $0x2;
	[bflag:$0x0] =	sbarrier.arrive $0xFFFF  }
0x4e: {  	s30 =	simm.s32 $0x3;
	[sflag:s2] =	ssyncpa.u1 $0x1  }
0x4f: {  	s31 =	simm.s32 $0x1;
	[sflag:s30] =	ssyncpa.u1 $0x1  }
0x50: {  	[sflag:s31] =	ssyncpa.u1 $0x1  }
0x51: {  	p0 =	sne.s32 s0, $0x0;
	_ =	strace $0x90000047  }
0x52: {  	s0 =	sadd.s32 @!p0 $0x100000, s1;
	[bflag:$0x2] =	sbarrier.arrive $0xFFFF  }
0x53: {  	[sflag:s0] =	ssyncadd.tile.s32 @!p0 $0x1;
	_ =	shalt  }
.Lfunc_end2:
_tile_overlayer_lowered:
.L_overlay_start_2:
0x54: {  	(tag) =	ssettag $0x2  }
0x55: {  	s0 =	rddreg [dreg:$0x0];
	s2 =	stileid.u32  }
0x56: {  	s1 =	rddreg [dreg:$0x1];
	p0 =	sne.s32 s2, $0x0  }
0x57: {  	s3 =	rddreg [dreg:$0x2];
	[bflag:$0x3] =	sbarrier.arrive $0xFFFF;
	s2 =	simm.s32 @!p0 $0x1C01  }
0x58: {  	[timem:s3], [sflag:s2] =	dma.local @!p0 [hbm:s0], s1  }
0x59: {  	s0 =	simm.s32 @!p0 $0x1  }
0x5a: {  	_ =	swait.ge @!p0 [sflag:s0], s1  }
0x5b: {  	s1 =	ssub.s32 @!p0 $0x0, s1;
	[sflag:s0] =	ssyncset.done @!p0 $0x0  }
0x5c: {  	[sflag:s0] =	ssyncadd.s32 @!p0 s1  }
0x5d: {  	[bflag:$0x3] =	sbarrier.arrive $0xFFFF  }
0x5e: {  	_ =	shalt  }

</sc_bundles>
